<compile_context>
chip_gen: v7x
topology: tpu7x:2x2x1
jax: 0.10.2.dev20260603
libtpu: 0.0.44.dev20260713+nightly
codegen_flags: <defaults>
</compile_context>

<pallas_src>
import dataclasses
import functools

import jax
import jax.numpy as jnp
from jax import lax
from jax.experimental import pallas as pl
from jax.experimental.pallas import tpu as pltpu
from jax.experimental.pallas import tpu_sc as plsc

N = 10000
E = 320000
IN_F = 128
OUT_F = 128

NC = 2
NS = 16
NW = NC * NS
LANES = 16

BLK = 128
E_TOT = E + N
NB = -(-E_TOT // (NS * BLK))
EP = NS * NB * BLK
CW = 27
NCH = NB // CW
DEN_W = 16
HALF = OUT_F // 2
FEH = HALF + DEN_W
N_PAD = 10240
RPW = N_PAD // NS


def _proj_body(x_ref, w_ref, asv_ref, adv_ref, h_ref, as_ref, ad_ref, m_ref):
    h = jnp.dot(x_ref[...], w_ref[...], preferred_element_type=jnp.float32)
    h_ref[...] = h
    a_s = jnp.dot(h, asv_ref[...], preferred_element_type=jnp.float32)
    a_d = jnp.dot(h, adv_ref[...], preferred_element_type=jnp.float32)
    as_ref[...] = a_s
    ad_ref[...] = a_d
    m = jnp.max(a_s) + jnp.max(a_d)
    m_ref[0, 0] = jnp.where(m > 0.0, m, 0.2 * m)


def _project(x, W, asv, adv):
    return pl.pallas_call(
        _proj_body,
        out_shape=(
            jax.ShapeDtypeStruct((N, OUT_F), jnp.float32),
            jax.ShapeDtypeStruct((N, 1), jnp.float32),
            jax.ShapeDtypeStruct((N, 1), jnp.float32),
            jax.ShapeDtypeStruct((1, 1), jnp.float32),
        ),
        out_specs=(
            pl.BlockSpec((N, OUT_F), lambda: (0, 0)),
            pl.BlockSpec((N, 1), lambda: (0, 0)),
            pl.BlockSpec((N, 1), lambda: (0, 0)),
            pl.BlockSpec(memory_space=pltpu.SMEM),
        ),
    )(x, W, asv, adv)


def _sc_body(src_hbm, dst_hbm, as_hbm, ad_hbm, m_hbm, hext0_hbm, hext1_hbm,
             out_hbm, as_v, ad_v, src_v, dst_v, rows_v, att_v, m_v, acc_sh,
             sem):
    c = lax.axis_index("c")
    s = lax.axis_index("s")

    pltpu.sync_copy(as_hbm, as_v)
    pltpu.sync_copy(ad_hbm, ad_v)
    pltpu.sync_copy(m_hbm, m_v)

    zeros16 = jnp.zeros((LANES,), jnp.float32)

    @pl.loop(0, BLK)
    def _zero_rows(r):
        for k in range(FEH // LANES):
            rows_v[r, pl.ds(k * LANES, LANES)] = zeros16

    @pl.loop(0, RPW // BLK)
    def _paint(i):
        pltpu.sync_copy(rows_v, acc_sh.at[pl.ds(s * RPW + i * BLK, BLK)])

    plsc.subcore_barrier()

    m_vec = m_v[...]

    def _run(hext_hbm):
        @pl.loop(0, NCH)
        def _chunk(ch):
            pltpu.sync_copy(src_hbm.at[s * NCH + ch], src_v)
            pltpu.sync_copy(dst_hbm.at[s * NCH + ch], dst_v)

            @pl.loop(0, CW)
            def _block(b):
                pltpu.async_copy(hext_hbm.at[src_v.at[b]], rows_v, sem).wait()

                @pl.loop(0, BLK // LANES)
                def _att(j):
                    sl = pl.ds(j * LANES, LANES)
                    s16 = src_v[b, sl]
                    d16 = dst_v[b, sl]
                    al = (plsc.load_gather(as_v, [s16])
                          + plsc.load_gather(ad_v, [d16]))
                    al = jnp.where(al > 0.0, al, al * 0.2)
                    att_v[sl] = jnp.exp(al - m_vec)

                @pl.loop(0, BLK)
                def _scale(r):
                    w = plsc.load_gather(
                        att_v, [jnp.full((LANES,), r, jnp.int32)])
                    for k in range(FEH // LANES):
                        cs = pl.ds(k * LANES, LANES)
                        rows_v[r, cs] = rows_v[r, cs] * w

                pltpu.sync_copy(rows_v, acc_sh.at[dst_v.at[b]], add=True)

    @pl.when(c == 0)
    def _core0():
        _run(hext0_hbm)

    @pl.when(c == 1)
    def _core1():
        _run(hext1_hbm)

    plsc.subcore_barrier()
    pltpu.sync_copy(acc_sh.at[pl.ds(s * RPW, RPW)],
                    out_hbm.at[pl.ds(c * N_PAD + s * RPW, RPW)])


def _sc_gat(src4, dst4, as_pad, ad_pad, m16, hext0, hext1):
    mesh = plsc.VectorSubcoreMesh(core_axis_name="c", subcore_axis_name="s")
    cp = pltpu.CompilerParams()
    if "needs_layout_passes" in pltpu.CompilerParams.__dataclass_fields__:
        cp = dataclasses.replace(cp, needs_layout_passes=False)
    if "use_tc_tiling_on_sc" in pltpu.CompilerParams.__dataclass_fields__:
        cp = dataclasses.replace(cp, use_tc_tiling_on_sc=False)
    k = pl.kernel(
        _sc_body,
        mesh=mesh,
        compiler_params=cp,
        out_type=jax.ShapeDtypeStruct((NC * N_PAD, FEH), jnp.float32),
        scratch_types=[
            pltpu.VMEM((N_PAD,), jnp.float32),
            pltpu.VMEM((N_PAD,), jnp.float32),
            pltpu.VMEM((CW, BLK), jnp.int32),
            pltpu.VMEM((CW, BLK), jnp.int32),
            pltpu.VMEM((BLK, FEH), jnp.float32),
            pltpu.VMEM((BLK,), jnp.float32),
            pltpu.VMEM((LANES,), jnp.float32),
            pltpu.VMEM_SHARED((N_PAD, FEH), jnp.float32),
            pltpu.SemaphoreType.DMA,
        ],
    )
    return k(src4, dst4, as_pad, ad_pad, m16, hext0, hext1)


def _fin_body(p0_ref, p1_ref, bias_ref, o_ref):
    p0 = p0_ref[...]
    p1 = p1_ref[...]
    b = bias_ref[...]
    o_ref[:, :HALF] = (p0[:, :HALF] / (p0[:, HALF:HALF + 1] + 1e-16)
                       + b[:, :HALF])
    o_ref[:, HALF:] = (p1[:, :HALF] / (p1[:, HALF:HALF + 1] + 1e-16)
                       + b[:, HALF:])


def _finalize(p0, p1, bias2):
    blk = 1000
    return pl.pallas_call(
        _fin_body,
        grid=(N // blk,),
        in_specs=[
            pl.BlockSpec((blk, FEH), lambda i: (i, 0)),
            pl.BlockSpec((blk, FEH), lambda i: (i, 0)),
            pl.BlockSpec((1, OUT_F), lambda i: (0, 0)),
        ],
        out_specs=pl.BlockSpec((blk, OUT_F), lambda i: (i, 0)),
        out_shape=jax.ShapeDtypeStruct((N, OUT_F), jnp.float32),
    )(p0, p1, bias2)


def kernel(x, edge_index, W, att_src, att_dst, bias):
    asv = att_src.reshape(OUT_F, 1).astype(jnp.float32)
    adv = att_dst.reshape(OUT_F, 1).astype(jnp.float32)

    h, a_s, a_d, m = _project(x, W, asv, adv)

    ones = jnp.ones((N, DEN_W), jnp.float32)
    hext0 = jnp.pad(jnp.concatenate([h[:, :HALF], ones], axis=1),
                    ((0, N_PAD - N), (0, 0)))
    hext1 = jnp.pad(jnp.concatenate([h[:, HALF:], ones], axis=1),
                    ((0, N_PAD - N), (0, 0)))
    as_pad = jnp.pad(a_s[:, 0], (0, N_PAD - N))
    ad_pad = jnp.pad(a_d[:, 0], (0, N_PAD - N))
    m16 = jnp.broadcast_to(m.reshape(1), (LANES,))

    loop_idx = jnp.arange(N, dtype=jnp.int32)
    pad_idx = jnp.full((EP - E_TOT,), N, jnp.int32)
    src = jnp.concatenate([edge_index[0], loop_idx, pad_idx])
    dst = jnp.concatenate([edge_index[1], loop_idx, pad_idx])

    acc = _sc_gat(src.reshape(NS * NCH, CW, BLK),
                  dst.reshape(NS * NCH, CW, BLK),
                  as_pad, ad_pad, m16, hext0, hext1)
    acc = acc.reshape(NC, N_PAD, FEH)

    out = _finalize(acc[0], acc[1], bias.reshape(1, OUT_F))
    return out

# --- scband reference (transcript-rebuilt; emitter-appended) ---
"""Pipeline reference for scband-gatlayer-9869834846959 (READ-ONLY COPY).

The authoritative reference and input builder live on the scoring server;
editing this copy changes nothing except your own understanding.
"""

import jax, jax.numpy as jnp
import numpy as np

N = 10000
E = 320000
IN_F = 128
OUT_F = 128
H = 1

def setup_inputs(seed: int = 0) -> dict:
    key = jax.random.key(seed)
    k1, k2, k3, k4, k5, k6 = jax.random.split(key, 6)
    x = jax.random.normal(k1, (N, IN_F), dtype=jnp.float32)
    edge_index = jax.random.randint(k2, (2, E), 0, N, dtype=jnp.int32)
    # GATConv parameters (heads=1, concat=True)
    W = jax.random.normal(k3, (IN_F, H * OUT_F), dtype=jnp.float32) * (1.0 / np.sqrt(IN_F))
    att_src = jax.random.normal(k4, (1, H, OUT_F), dtype=jnp.float32) * 0.1
    att_dst = jax.random.normal(k5, (1, H, OUT_F), dtype=jnp.float32) * 0.1
    bias = jnp.zeros((H * OUT_F,), dtype=jnp.float32)
    return {"x": x, "edge_index": edge_index, "W": W, "att_src": att_src, "att_dst": att_dst, "bias": bias}

def reference(x, edge_index, W, att_src, att_dst, bias):
    # PyG GATConv semantics: linear proj, per-edge attention with leaky_relu(0.2),
    # softmax over incoming edges of each dst node, add_self_loops=True, dropout=0.0.
    src = edge_index[0]
    dst = edge_index[1]
    loop = jnp.arange(N, dtype=src.dtype)
    src = jnp.concatenate([src, loop])
    dst = jnp.concatenate([dst, loop])
    h = (x @ W).reshape(N, H, OUT_F)
    a_src = jnp.sum(h * att_src, axis=-1)  # [N, H]
    a_dst = jnp.sum(h * att_dst, axis=-1)  # [N, H]
    alpha = a_src[src] + a_dst[dst]        # [E+N, H]
    alpha = jax.nn.leaky_relu(alpha, negative_slope=0.2)
    amax = jax.ops.segment_max(alpha, dst, num_segments=N)
    amax = jnp.where(jnp.isfinite(amax), amax, 0.0)
    ex = jnp.exp(alpha - amax[dst])
    denom = jax.ops.segment_sum(ex, dst, num_segments=N)
    att = ex / (denom[dst] + 1e-16)        # [E+N, H]
    msg = h[src] * att[:, :, None]         # [E+N, H, OUT_F]
    out = jax.ops.segment_sum(msg, dst, num_segments=N)  # [N, H, OUT_F]
    out = out.reshape(N, H * OUT_F) + bias
    return out

if __name__ == "__main__":
    import jax
    _d = setup_inputs()
    print(jax.jit(kernel)(*tuple(_d.values())))

</pallas_src>

<mosaic_0001>
#map = affine_map<(d0, d1) -> (0, 0, 0)>
#map1 = affine_map<(d0, d1) -> (0)>
#map2 = affine_map<(d0, d1) -> (0, 0)>
module attributes {stable_mosaic.version = 14 : i64} {
  func.func @_sc_body(%arg0: i32, %arg1: i32, %arg2: memref<96x27x128xi32, #tpu.memory_space<hbm>>, %arg3: memref<96x27x128xi32, #tpu.memory_space<hbm>>, %arg4: memref<10240xf32, #tpu.memory_space<hbm>>, %arg5: memref<10240xf32, #tpu.memory_space<hbm>>, %arg6: memref<16xf32, #tpu.memory_space<hbm>>, %arg7: memref<10240x80xf32, #tpu.memory_space<hbm>>, %arg8: memref<10240x80xf32, #tpu.memory_space<hbm>>, %arg9: memref<20480x80xf32, #tpu.memory_space<hbm>>, %arg10: memref<10240xf32, #tpu.memory_space<vmem>>, %arg11: memref<10240xf32, #tpu.memory_space<vmem>>, %arg12: memref<27x128xi32, #tpu.memory_space<vmem>>, %arg13: memref<27x128xi32, #tpu.memory_space<vmem>>, %arg14: memref<128x80xf32, #tpu.memory_space<vmem>>, %arg15: memref<128xf32, #tpu.memory_space<vmem>>, %arg16: memref<16xf32, #tpu.memory_space<vmem>>, %arg17: memref<10240x80xf32, #tpu.memory_space<vmem_shared>>, %arg18: memref<!tpu.dma_semaphore, #tpu.memory_space<semaphore_mem>>) attributes {dimension_semantics = [#tpu.dimension_semantics<core_parallel>, #tpu.dimension_semantics<subcore_parallel>], iteration_bounds = array<i64: 2, 16>, scalar_prefetch = 0 : i64, scratch_operands = 9 : i64, tpu.core_type = #tpu.core_type<sc_vector_subcore>, window_params = [{transform_indices = #map}, {transform_indices = #map}, {transform_indices = #map1}, {transform_indices = #map1}, {transform_indices = #map1}, {transform_indices = #map2}, {transform_indices = #map2}, {transform_indices = #map2}]} {
    "tpu.region"() ({
      %run_scoped3A = tpu.sem_alloc : memref<!tpu.dma_semaphore, #tpu.memory_space<semaphore_mem>>
      tpu.enqueue_dma source(%arg4 : memref<10240xf32, #tpu.memory_space<hbm>>) target(%arg10 : memref<10240xf32, #tpu.memory_space<vmem>>) target_semaphore(%run_scoped3A : memref<!tpu.dma_semaphore, #tpu.memory_space<semaphore_mem>>)
      tpu.wait_dma2 semaphore(%run_scoped3A : memref<!tpu.dma_semaphore, #tpu.memory_space<semaphore_mem>>) src(%arg4 : memref<10240xf32, #tpu.memory_space<hbm>>) dst(%arg10 : memref<10240xf32, #tpu.memory_space<vmem>>)
      tpu.yield
    }) : () -> ()
    "tpu.region"() ({
      %run_scoped3A = tpu.sem_alloc : memref<!tpu.dma_semaphore, #tpu.memory_space<semaphore_mem>>
      tpu.enqueue_dma source(%arg5 : memref<10240xf32, #tpu.memory_space<hbm>>) target(%arg11 : memref<10240xf32, #tpu.memory_space<vmem>>) target_semaphore(%run_scoped3A : memref<!tpu.dma_semaphore, #tpu.memory_space<semaphore_mem>>)
      tpu.wait_dma2 semaphore(%run_scoped3A : memref<!tpu.dma_semaphore, #tpu.memory_space<semaphore_mem>>) src(%arg5 : memref<10240xf32, #tpu.memory_space<hbm>>) dst(%arg11 : memref<10240xf32, #tpu.memory_space<vmem>>)
      tpu.yield
    }) : () -> ()
    "tpu.region"() ({
      %run_scoped3A = tpu.sem_alloc : memref<!tpu.dma_semaphore, #tpu.memory_space<semaphore_mem>>
      tpu.enqueue_dma source(%arg6 : memref<16xf32, #tpu.memory_space<hbm>>) target(%arg16 : memref<16xf32, #tpu.memory_space<vmem>>) target_semaphore(%run_scoped3A : memref<!tpu.dma_semaphore, #tpu.memory_space<semaphore_mem>>)
      tpu.wait_dma2 semaphore(%run_scoped3A : memref<!tpu.dma_semaphore, #tpu.memory_space<semaphore_mem>>) src(%arg6 : memref<16xf32, #tpu.memory_space<hbm>>) dst(%arg16 : memref<16xf32, #tpu.memory_space<vmem>>)
      tpu.yield
    }) : () -> ()
    %broadcast_in_dim3A = arith.constant 0.000000e+00 : f32
    %broadcast_in_dim3A_0 = vector.broadcast %broadcast_in_dim3A : f32 to vector<16xf32>
    %scan3A = arith.constant 0 : i32
    %scan3A_1 = arith.constant 128 : i32
    %scan3A_2 = arith.addi %scan3A, %scan3A_1 : i32
    %scan3A_3 = arith.constant 1 : i32
    scf.for %scan3A_24 = %scan3A to %scan3A_2 step %scan3A_3  : i32 {
      %mul3A_25 = arith.constant 1 : i32
      %mul3A_26 = arith.muli %scan3A_24, %mul3A_25 : i32
      %add3A_27 = arith.constant 0 : i32
      %add3A_28 = arith.addi %add3A_27, %mul3A_26 : i32
      %swap3A = arith.index_cast %add3A_28 : i32 to index
      %swap3A_29 = arith.constant 0 : index
      %swap3A_30 = tpu.vector_load %arg14[%swap3A, %swap3A_29] {strides = array<i32>} : memref<128x80xf32, #tpu.memory_space<vmem>>, vector<16xf32>,
      tpu.vector_store %arg14[%swap3A, %swap3A_29], %broadcast_in_dim3A_0 {strides = array<i32>} : memref<128x80xf32, #tpu.memory_space<vmem>>, vector<16xf32>,
      %swap3A_31 = arith.index_cast %add3A_28 : i32 to index
      %swap3A_32 = arith.constant 16 : index
      %swap3A_33 = tpu.vector_load %arg14[%swap3A_31, %swap3A_32] {strides = array<i32>} : memref<128x80xf32, #tpu.memory_space<vmem>>, vector<16xf32>,
      tpu.vector_store %arg14[%swap3A_31, %swap3A_32], %broadcast_in_dim3A_0 {strides = array<i32>} : memref<128x80xf32, #tpu.memory_space<vmem>>, vector<16xf32>,
      %swap3A_34 = arith.index_cast %add3A_28 : i32 to index
      %swap3A_35 = arith.constant 32 : index
      %swap3A_36 = tpu.vector_load %arg14[%swap3A_34, %swap3A_35] {strides = array<i32>} : memref<128x80xf32, #tpu.memory_space<vmem>>, vector<16xf32>,
      tpu.vector_store %arg14[%swap3A_34, %swap3A_35], %broadcast_in_dim3A_0 {strides = array<i32>} : memref<128x80xf32, #tpu.memory_space<vmem>>, vector<16xf32>,
      %swap3A_37 = arith.index_cast %add3A_28 : i32 to index
      %swap3A_38 = arith.constant 48 : index
      %swap3A_39 = tpu.vector_load %arg14[%swap3A_37, %swap3A_38] {strides = array<i32>} : memref<128x80xf32, #tpu.memory_space<vmem>>, vector<16xf32>,
      tpu.vector_store %arg14[%swap3A_37, %swap3A_38], %broadcast_in_dim3A_0 {strides = array<i32>} : memref<128x80xf32, #tpu.memory_space<vmem>>, vector<16xf32>,
      %swap3A_40 = arith.index_cast %add3A_28 : i32 to index
      %swap3A_41 = arith.constant 64 : index
      %swap3A_42 = tpu.vector_load %arg14[%swap3A_40, %swap3A_41] {strides = array<i32>} : memref<128x80xf32, #tpu.memory_space<vmem>>, vector<16xf32>,
      tpu.vector_store %arg14[%swap3A_40, %swap3A_41], %broadcast_in_dim3A_0 {strides = array<i32>} : memref<128x80xf32, #tpu.memory_space<vmem>>, vector<16xf32>,
    }
    %scan3A_4 = arith.constant 128 : i32
    %scan3A_5 = arith.constant 0 : i32
    %scan3A_6 = arith.constant 5 : i32
    %scan3A_7 = arith.addi %scan3A_5, %scan3A_6 : i32
    %scan3A_8 = arith.constant 1 : i32
    scf.for %scan3A_24 = %scan3A_5 to %scan3A_7 step %scan3A_8  : i32 {
      %mul3A_25 = arith.constant 1 : i32
      %mul3A_26 = arith.muli %scan3A_24, %mul3A_25 : i32
      %add3A_27 = arith.constant 0 : i32
      %add3A_28 = arith.addi %add3A_27, %mul3A_26 : i32
      %mul3A_29 = arith.constant 640 : i32
      %mul3A_30 = arith.muli %arg1, %mul3A_29 : i32
      %mul3A_31 = arith.constant 128 : i32
      %mul3A_32 = arith.muli %add3A_28, %mul3A_31 : i32
      %add3A_33 = arith.addi %mul3A_30, %mul3A_32 : i32
      "tpu.region"() ({
        %run_scoped3A = tpu.sem_alloc : memref<!tpu.dma_semaphore, #tpu.memory_space<semaphore_mem>>
        %dma_start3A = arith.constant 0 : i32
        %dma_start3A_34 = tpu.memref_slice %arg17[%add3A_33, %dma_start3A] : memref<10240x80xf32, #tpu.memory_space<vmem_shared>> -> memref<128x80xf32, #tpu.memory_space<vmem_shared>>
        %dma_start3A_35 = arith.constant 0 : i32
        %dma_start3A_36 = tpu.memref_slice %arg17[%add3A_33, %dma_start3A_35] : memref<10240x80xf32, #tpu.memory_space<vmem_shared>> -> memref<128x80xf32, #tpu.memory_space<vmem_shared>>
        tpu.enqueue_dma source(%arg14 : memref<128x80xf32, #tpu.memory_space<vmem>>) target(%dma_start3A_36 : memref<128x80xf32, #tpu.memory_space<vmem_shared>>) target_semaphore(%run_scoped3A : memref<!tpu.dma_semaphore, #tpu.memory_space<semaphore_mem>>)
        %dma_wait3A = arith.constant 0 : i32
        %dma_wait3A_37 = tpu.memref_slice %arg17[%add3A_33, %dma_wait3A] : memref<10240x80xf32, #tpu.memory_space<vmem_shared>> -> memref<128x80xf32, #tpu.memory_space<vmem_shared>>
        %dma_wait3A_38 = arith.constant 0 : i32
        %dma_wait3A_39 = tpu.memref_slice %arg17[%add3A_33, %dma_wait3A_38] : memref<10240x80xf32, #tpu.memory_space<vmem_shared>> -> memref<128x80xf32, #tpu.memory_space<vmem_shared>>
        tpu.wait_dma2 semaphore(%run_scoped3A : memref<!tpu.dma_semaphore, #tpu.memory_space<semaphore_mem>>) src(%arg14 : memref<128x80xf32, #tpu.memory_space<vmem>>) dst(%dma_wait3A_39 : memref<128x80xf32, #tpu.memory_space<vmem_shared>>)
        tpu.yield
      }) : () -> ()
    }
    %scan3A_9 = arith.constant 5 : i32
    %barrier3A = arith.constant 0 : index
    tpu.barrier barrier_id(%barrier3A)
    %get3A = arith.constant 0 : index
    %get3A_10 = tpu.vector_load %arg16[%get3A] {strides = array<i32>} : memref<16xf32, #tpu.memory_space<vmem>>, vector<16xf32>,
    %eq3A = arith.constant 0 : i32
    %eq3A_11 = arith.cmpi eq, %arg0, %eq3A : i32
    %convert_element_type3A = arith.extui %eq3A_11 : i1 to i32
    %cond3A = arith.constant 0 : i32
    %cond3A_12 = arith.cmpi ne, %convert_element_type3A, %cond3A : i32
    scf.if %cond3A_12 {
      %scan3A_24 = arith.constant 0 : i32
      %scan3A_25 = arith.constant 6 : i32
      %scan3A_26 = arith.addi %scan3A_24, %scan3A_25 : i32
      %scan3A_27 = arith.constant 1 : i32
      scf.for %scan3A_29 = %scan3A_24 to %scan3A_26 step %scan3A_27  : i32 {
        %mul3A_30 = arith.constant 1 : i32
        %mul3A_31 = arith.muli %scan3A_29, %mul3A_30 : i32
        %add3A_32 = arith.constant 0 : i32
        %add3A_33 = arith.addi %add3A_32, %mul3A_31 : i32
        %mul3A_34 = arith.constant 6 : i32
        %mul3A_35 = arith.muli %arg1, %mul3A_34 : i32
        %add3A_36 = arith.addi %mul3A_35, %add3A_33 : i32
        "tpu.region"() ({
          %run_scoped3A = tpu.sem_alloc : memref<!tpu.dma_semaphore, #tpu.memory_space<semaphore_mem>>
          %dma_start3A = arith.constant 0 : i32
          %dma_start3A_45 = arith.constant 0 : i32
          %dma_start3A_46 = tpu.memref_slice %arg2[%add3A_36, %dma_start3A, %dma_start3A_45] : memref<96x27x128xi32, #tpu.memory_space<hbm>> -> memref<1x27x128xi32, #tpu.memory_space<hbm>>
          %dma_start3A_47 = tpu.memref_squeeze %dma_start3A_46 : memref<1x27x128xi32, #tpu.memory_space<hbm>> -> memref<27x128xi32, #tpu.memory_space<hbm>>
          %dma_start3A_48 = arith.constant 0 : i32
          %dma_start3A_49 = arith.constant 0 : i32
          %dma_start3A_50 = tpu.memref_slice %arg2[%add3A_36, %dma_start3A_48, %dma_start3A_49] : memref<96x27x128xi32, #tpu.memory_space<hbm>> -> memref<1x27x128xi32, #tpu.memory_space<hbm>>
          %dma_start3A_51 = tpu.memref_squeeze %dma_start3A_50 : memref<1x27x128xi32, #tpu.memory_space<hbm>> -> memref<27x128xi32, #tpu.memory_space<hbm>>
          tpu.enqueue_dma source(%dma_start3A_51 : memref<27x128xi32, #tpu.memory_space<hbm>>) target(%arg12 : memref<27x128xi32, #tpu.memory_space<vmem>>) target_semaphore(%run_scoped3A : memref<!tpu.dma_semaphore, #tpu.memory_space<semaphore_mem>>)
          %dma_wait3A = arith.constant 0 : i32
          %dma_wait3A_52 = arith.constant 0 : i32
          %dma_wait3A_53 = tpu.memref_slice %arg2[%add3A_36, %dma_wait3A, %dma_wait3A_52] : memref<96x27x128xi32, #tpu.memory_space<hbm>> -> memref<1x27x128xi32, #tpu.memory_space<hbm>>
          %dma_wait3A_54 = tpu.memref_squeeze %dma_wait3A_53 : memref<1x27x128xi32, #tpu.memory_space<hbm>> -> memref<27x128xi32, #tpu.memory_space<hbm>>
          %dma_wait3A_55 = arith.constant 0 : i32
          %dma_wait3A_56 = arith.constant 0 : i32
          %dma_wait3A_57 = tpu.memref_slice %arg2[%add3A_36, %dma_wait3A_55, %dma_wait3A_56] : memref<96x27x128xi32, #tpu.memory_space<hbm>> -> memref<1x27x128xi32, #tpu.memory_space<hbm>>
          %dma_wait3A_58 = tpu.memref_squeeze %dma_wait3A_57 : memref<1x27x128xi32, #tpu.memory_space<hbm>> -> memref<27x128xi32, #tpu.memory_space<hbm>>
          tpu.wait_dma2 semaphore(%run_scoped3A : memref<!tpu.dma_semaphore, #tpu.memory_space<semaphore_mem>>) src(%dma_wait3A_58 : memref<27x128xi32, #tpu.memory_space<hbm>>) dst(%arg12 : memref<27x128xi32, #tpu.memory_space<vmem>>)
          tpu.yield
        }) : () -> ()
        %mul3A_37 = arith.constant 6 : i32
        %mul3A_38 = arith.muli %arg1, %mul3A_37 : i32
        %add3A_39 = arith.addi %mul3A_38, %add3A_33 : i32
        "tpu.region"() ({
          %run_scoped3A = tpu.sem_alloc : memref<!tpu.dma_semaphore, #tpu.memory_space<semaphore_mem>>
          %dma_start3A = arith.constant 0 : i32
          %dma_start3A_45 = arith.constant 0 : i32
          %dma_start3A_46 = tpu.memref_slice %arg3[%add3A_39, %dma_start3A, %dma_start3A_45] : memref<96x27x128xi32, #tpu.memory_space<hbm>> -> memref<1x27x128xi32, #tpu.memory_space<hbm>>
          %dma_start3A_47 = tpu.memref_squeeze %dma_start3A_46 : memref<1x27x128xi32, #tpu.memory_space<hbm>> -> memref<27x128xi32, #tpu.memory_space<hbm>>
          %dma_start3A_48 = arith.constant 0 : i32
          %dma_start3A_49 = arith.constant 0 : i32
          %dma_start3A_50 = tpu.memref_slice %arg3[%add3A_39, %dma_start3A_48, %dma_start3A_49] : memref<96x27x128xi32, #tpu.memory_space<hbm>> -> memref<1x27x128xi32, #tpu.memory_space<hbm>>
          %dma_start3A_51 = tpu.memref_squeeze %dma_start3A_50 : memref<1x27x128xi32, #tpu.memory_space<hbm>> -> memref<27x128xi32, #tpu.memory_space<hbm>>
          tpu.enqueue_dma source(%dma_start3A_51 : memref<27x128xi32, #tpu.memory_space<hbm>>) target(%arg13 : memref<27x128xi32, #tpu.memory_space<vmem>>) target_semaphore(%run_scoped3A : memref<!tpu.dma_semaphore, #tpu.memory_space<semaphore_mem>>)
          %dma_wait3A = arith.constant 0 : i32
          %dma_wait3A_52 = arith.constant 0 : i32
          %dma_wait3A_53 = tpu.memref_slice %arg3[%add3A_39, %dma_wait3A, %dma_wait3A_52] : memref<96x27x128xi32, #tpu.memory_space<hbm>> -> memref<1x27x128xi32, #tpu.memory_space<hbm>>
          %dma_wait3A_54 = tpu.memref_squeeze %dma_wait3A_53 : memref<1x27x128xi32, #tpu.memory_space<hbm>> -> memref<27x128xi32, #tpu.memory_space<hbm>>
          %dma_wait3A_55 = arith.constant 0 : i32
          %dma_wait3A_56 = arith.constant 0 : i32
          %dma_wait3A_57 = tpu.memref_slice %arg3[%add3A_39, %dma_wait3A_55, %dma_wait3A_56] : memref<96x27x128xi32, #tpu.memory_space<hbm>> -> memref<1x27x128xi32, #tpu.memory_space<hbm>>
          %dma_wait3A_58 = tpu.memref_squeeze %dma_wait3A_57 : memref<1x27x128xi32, #tpu.memory_space<hbm>> -> memref<27x128xi32, #tpu.memory_space<hbm>>
          tpu.wait_dma2 semaphore(%run_scoped3A : memref<!tpu.dma_semaphore, #tpu.memory_space<semaphore_mem>>) src(%dma_wait3A_58 : memref<27x128xi32, #tpu.memory_space<hbm>>) dst(%arg13 : memref<27x128xi32, #tpu.memory_space<vmem>>)
          tpu.yield
        }) : () -> ()
        %scan3A_40 = arith.constant 0 : i32
        %scan3A_41 = arith.constant 27 : i32
        %scan3A_42 = arith.addi %scan3A_40, %scan3A_41 : i32
        %scan3A_43 = arith.constant 1 : i32
        scf.for %scan3A_45 = %scan3A_40 to %scan3A_42 step %scan3A_43  : i32 {
          %mul3A_46 = arith.constant 1 : i32
          %mul3A_47 = arith.muli %scan3A_45, %mul3A_46 : i32
          %add3A_48 = arith.constant 0 : i32
          %add3A_49 = arith.addi %add3A_48, %mul3A_47 : i32
          %dma_start3A = arith.constant 0 : i32
          %dma_start3A_50 = tpu.memref_slice %arg12[%add3A_49, %dma_start3A] : memref<27x128xi32, #tpu.memory_space<vmem>> -> memref<1x128xi32, #tpu.memory_space<vmem>>
          %dma_start3A_51 = tpu.memref_squeeze %dma_start3A_50 : memref<1x128xi32, #tpu.memory_space<vmem>> -> memref<128xi32, #tpu.memory_space<vmem>>
          %dma_start3A_52 = arith.constant 0 : i32
          %dma_start3A_53 = arith.constant 0 : i32
          %dma_start3A_54 = tpu.memref_slice %arg7[%dma_start3A_52, %dma_start3A_53] : memref<10240x80xf32, #tpu.memory_space<hbm>> -> memref<10240x80xf32, #tpu.memory_space<hbm>>
          tpu.enqueue_indirect_dma source(%dma_start3A_54 : memref<10240x80xf32, #tpu.memory_space<hbm>>) target(%arg14 : memref<128x80xf32, #tpu.memory_space<vmem>>) offsets(%dma_start3A_51 : memref<128xi32, #tpu.memory_space<vmem>>) semaphore(%arg18 : memref<!tpu.dma_semaphore, #tpu.memory_space<semaphore_mem>>)
          %dma_wait3A = arith.constant 0 : i32
          %dma_wait3A_55 = tpu.memref_slice %arg12[%add3A_49, %dma_wait3A] : memref<27x128xi32, #tpu.memory_space<vmem>> -> memref<1x128xi32, #tpu.memory_space<vmem>>
          %dma_wait3A_56 = tpu.memref_squeeze %dma_wait3A_55 : memref<1x128xi32, #tpu.memory_space<vmem>> -> memref<128xi32, #tpu.memory_space<vmem>>
          %dma_wait3A_57 = arith.constant 0 : i32
          %dma_wait3A_58 = arith.constant 0 : i32
          %dma_wait3A_59 = tpu.memref_slice %arg7[%dma_wait3A_57, %dma_wait3A_58] : memref<10240x80xf32, #tpu.memory_space<hbm>> -> memref<10240x80xf32, #tpu.memory_space<hbm>>
          tpu.wait_indirect_dma semaphore(%arg18 : memref<!tpu.dma_semaphore, #tpu.memory_space<semaphore_mem>>) src(%dma_wait3A_59 : memref<10240x80xf32, #tpu.memory_space<hbm>>) dst(%arg14 : memref<128x80xf32, #tpu.memory_space<vmem>>)
          %scan3A_60 = arith.constant 0 : i32
          %scan3A_61 = arith.constant 8 : i32
          %scan3A_62 = arith.addi %scan3A_60, %scan3A_61 : i32
          %scan3A_63 = arith.constant 1 : i32
          scf.for %scan3A_70 = %scan3A_60 to %scan3A_62 step %scan3A_63  : i32 {
            %mul3A_71 = arith.constant 1 : i32
            %mul3A_72 = arith.muli %scan3A_70, %mul3A_71 : i32
            %add3A_73 = arith.constant 0 : i32
            %add3A_74 = arith.addi %add3A_73, %mul3A_72 : i32
            %mul3A_75 = arith.constant 16 : i32
            %mul3A_76 = arith.muli %add3A_74, %mul3A_75 : i32
            %get3A_77 = arith.index_cast %add3A_49 : i32 to index
            %get3A_78 = arith.index_cast %mul3A_76 : i32 to index
            %get3A_79 = tpu.vector_load %arg12[%get3A_77, %get3A_78] {strides = array<i32>} : memref<27x128xi32, #tpu.memory_space<vmem>>, vector<16xi32>,
            %get3A_80 = arith.index_cast %add3A_49 : i32 to index
            %get3A_81 = arith.index_cast %mul3A_76 : i32 to index
            %get3A_82 = tpu.vector_load %arg13[%get3A_80, %get3A_81] {strides = array<i32>} : memref<27x128xi32, #tpu.memory_space<vmem>>, vector<16xi32>,
            %gather3A = tpu.vector_load_idx %arg10[%get3A_79] : memref<10240xf32, #tpu.memory_space<vmem>>[vector<16xi32>], vector<16xf32>,
            %gather3A_83 = tpu.vector_load_idx %arg11[%get3A_82] : memref<10240xf32, #tpu.memory_space<vmem>>[vector<16xi32>], vector<16xf32>,
            %add3A_84 = arith.addf %gather3A, %gather3A_83 : vector<16xf32>
            %gt3A = arith.constant 0.000000e+00 : f32
            %gt3A_85 = vector.broadcast %gt3A : f32 to vector<16xf32>
            %gt3A_86 = arith.cmpf ogt, %add3A_84, %gt3A_85 : vector<16xf32>
            %mul3A_87 = arith.constant 2.000000e-01 : f32
            %mul3A_88 = vector.broadcast %mul3A_87 : f32 to vector<16xf32>
            %mul3A_89 = arith.mulf %add3A_84, %mul3A_88 : vector<16xf32>
            %select_n3A = arith.select %gt3A_86, %add3A_84, %mul3A_89 : vector<16xi1>, vector<16xf32>
            %sub3A = arith.subf %select_n3A, %get3A_10 : vector<16xf32>
            %exp3A = math.exp %sub3A : vector<16xf32>
            %swap3A = arith.index_cast %mul3A_76 : i32 to index
            %swap3A_90 = tpu.vector_load %arg15[%swap3A] {strides = array<i32>} : memref<128xf32, #tpu.memory_space<vmem>>, vector<16xf32>,
            tpu.vector_store %arg15[%swap3A], %exp3A {strides = array<i32>} : memref<128xf32, #tpu.memory_space<vmem>>, vector<16xf32>,
          }
          %scan3A_64 = arith.constant 8 : i32
          %scan3A_65 = arith.constant 0 : i32
          %scan3A_66 = arith.constant 128 : i32
          %scan3A_67 = arith.addi %scan3A_65, %scan3A_66 : i32
          %scan3A_68 = arith.constant 1 : i32
          scf.for %scan3A_70 = %scan3A_65 to %scan3A_67 step %scan3A_68  : i32 {
            %mul3A_71 = arith.constant 1 : i32
            %mul3A_72 = arith.muli %scan3A_70, %mul3A_71 : i32
            %add3A_73 = arith.constant 0 : i32
            %add3A_74 = arith.addi %add3A_73, %mul3A_72 : i32
            %broadcast_in_dim3A_75 = vector.broadcast %add3A_74 : i32 to vector<16xi32>
            %gather3A = tpu.vector_load_idx %arg15[%broadcast_in_dim3A_75] : memref<128xf32, #tpu.memory_space<vmem>>[vector<16xi32>], vector<16xf32>,
            %get3A_76 = arith.index_cast %add3A_74 : i32 to index
            %get3A_77 = arith.constant 0 : index
            %get3A_78 = tpu.vector_load %arg14[%get3A_76, %get3A_77] {strides = array<i32>} : memref<128x80xf32, #tpu.memory_space<vmem>>, vector<16xf32>,
            %mul3A_79 = arith.mulf %get3A_78, %gather3A : vector<16xf32>
            %swap3A = arith.index_cast %add3A_74 : i32 to index
            %swap3A_80 = arith.constant 0 : index
            %swap3A_81 = tpu.vector_load %arg14[%swap3A, %swap3A_80] {strides = array<i32>} : memref<128x80xf32, #tpu.memory_space<vmem>>, vector<16xf32>,
            tpu.vector_store %arg14[%swap3A, %swap3A_80], %mul3A_79 {strides = array<i32>} : memref<128x80xf32, #tpu.memory_space<vmem>>, vector<16xf32>,
            %get3A_82 = arith.index_cast %add3A_74 : i32 to index
            %get3A_83 = arith.constant 16 : index
            %get3A_84 = tpu.vector_load %arg14[%get3A_82, %get3A_83] {strides = array<i32>} : memref<128x80xf32, #tpu.memory_space<vmem>>, vector<16xf32>,
            %mul3A_85 = arith.mulf %get3A_84, %gather3A : vector<16xf32>
            %swap3A_86 = arith.index_cast %add3A_74 : i32 to index
            %swap3A_87 = arith.constant 16 : index
            %swap3A_88 = tpu.vector_load %arg14[%swap3A_86, %swap3A_87] {strides = array<i32>} : memref<128x80xf32, #tpu.memory_space<vmem>>, vector<16xf32>,
            tpu.vector_store %arg14[%swap3A_86, %swap3A_87], %mul3A_85 {strides = array<i32>} : memref<128x80xf32, #tpu.memory_space<vmem>>, vector<16xf32>,
            %get3A_89 = arith.index_cast %add3A_74 : i32 to index
            %get3A_90 = arith.constant 32 : index
            %get3A_91 = tpu.vector_load %arg14[%get3A_89, %get3A_90] {strides = array<i32>} : memref<128x80xf32, #tpu.memory_space<vmem>>, vector<16xf32>,
            %mul3A_92 = arith.mulf %get3A_91, %gather3A : vector<16xf32>
            %swap3A_93 = arith.index_cast %add3A_74 : i32 to index
            %swap3A_94 = arith.constant 32 : index
            %swap3A_95 = tpu.vector_load %arg14[%swap3A_93, %swap3A_94] {strides = array<i32>} : memref<128x80xf32, #tpu.memory_space<vmem>>, vector<16xf32>,
            tpu.vector_store %arg14[%swap3A_93, %swap3A_94], %mul3A_92 {strides = array<i32>} : memref<128x80xf32, #tpu.memory_space<vmem>>, vector<16xf32>,
            %get3A_96 = arith.index_cast %add3A_74 : i32 to index
            %get3A_97 = arith.constant 48 : index
            %get3A_98 = tpu.vector_load %arg14[%get3A_96, %get3A_97] {strides = array<i32>} : memref<128x80xf32, #tpu.memory_space<vmem>>, vector<16xf32>,
            %mul3A_99 = arith.mulf %get3A_98, %gather3A : vector<16xf32>
            %swap3A_100 = arith.index_cast %add3A_74 : i32 to index
            %swap3A_101 = arith.constant 48 : index
            %swap3A_102 = tpu.vector_load %arg14[%swap3A_100, %swap3A_101] {strides = array<i32>} : memref<128x80xf32, #tpu.memory_space<vmem>>, vector<16xf32>,
            tpu.vector_store %arg14[%swap3A_100, %swap3A_101], %mul3A_99 {strides = array<i32>} : memref<128x80xf32, #tpu.memory_space<vmem>>, vector<16xf32>,
            %get3A_103 = arith.index_cast %add3A_74 : i32 to index
            %get3A_104 = arith.constant 64 : index
            %get3A_105 = tpu.vector_load %arg14[%get3A_103, %get3A_104] {strides = array<i32>} : memref<128x80xf32, #tpu.memory_space<vmem>>, vector<16xf32>,
            %mul3A_106 = arith.mulf %get3A_105, %gather3A : vector<16xf32>
            %swap3A_107 = arith.index_cast %add3A_74 : i32 to index
            %swap3A_108 = arith.constant 64 : index
            %swap3A_109 = tpu.vector_load %arg14[%swap3A_107, %swap3A_108] {strides = array<i32>} : memref<128x80xf32, #tpu.memory_space<vmem>>, vector<16xf32>,
            tpu.vector_store %arg14[%swap3A_107, %swap3A_108], %mul3A_106 {strides = array<i32>} : memref<128x80xf32, #tpu.memory_space<vmem>>, vector<16xf32>,
          }
          %scan3A_69 = arith.constant 128 : i32
          "tpu.region"() ({
            %run_scoped3A = tpu.sem_alloc : memref<!tpu.dma_semaphore, #tpu.memory_space<semaphore_mem>>
            %dma_start3A_70 = arith.constant 0 : i32
            %dma_start3A_71 = tpu.memref_slice %arg13[%add3A_49, %dma_start3A_70] : memref<27x128xi32, #tpu.memory_space<vmem>> -> memref<1x128xi32, #tpu.memory_space<vmem>>
            %dma_start3A_72 = tpu.memref_squeeze %dma_start3A_71 : memref<1x128xi32, #tpu.memory_space<vmem>> -> memref<128xi32, #tpu.memory_space<vmem>>
            %dma_start3A_73 = arith.constant 0 : i32
            %dma_start3A_74 = arith.constant 0 : i32
            %dma_start3A_75 = tpu.memref_slice %arg17[%dma_start3A_73, %dma_start3A_74] : memref<10240x80xf32, #tpu.memory_space<vmem_shared>> -> memref<10240x80xf32, #tpu.memory_space<vmem_shared>>
            tpu.enqueue_indirect_dma source(%arg14 : memref<128x80xf32, #tpu.memory_space<vmem>>) target(%dma_start3A_75 : memref<10240x80xf32, #tpu.memory_space<vmem_shared>>) offsets(%dma_start3A_72 : memref<128xi32, #tpu.memory_space<vmem>>) semaphore(%run_scoped3A : memref<!tpu.dma_semaphore, #tpu.memory_space<semaphore_mem>>) {add = true}
            %dma_wait3A_76 = arith.constant 0 : i32
            %dma_wait3A_77 = tpu.memref_slice %arg13[%add3A_49, %dma_wait3A_76] : memref<27x128xi32, #tpu.memory_space<vmem>> -> memref<1x128xi32, #tpu.memory_space<vmem>>
            %dma_wait3A_78 = tpu.memref_squeeze %dma_wait3A_77 : memref<1x128xi32, #tpu.memory_space<vmem>> -> memref<128xi32, #tpu.memory_space<vmem>>
            %dma_wait3A_79 = arith.constant 0 : i32
            %dma_wait3A_80 = arith.constant 0 : i32
            %dma_wait3A_81 = tpu.memref_slice %arg17[%dma_wait3A_79, %dma_wait3A_80] : memref<10240x80xf32, #tpu.memory_space<vmem_shared>> -> memref<10240x80xf32, #tpu.memory_space<vmem_shared>>
            tpu.wait_indirect_dma semaphore(%run_scoped3A : memref<!tpu.dma_semaphore, #tpu.memory_space<semaphore_mem>>) src(%arg14 : memref<128x80xf32, #tpu.memory_space<vmem>>) dst(%dma_wait3A_81 : memref<10240x80xf32, #tpu.memory_space<vmem_shared>>)
            tpu.yield
          }) : () -> ()
        }
        %scan3A_44 = arith.constant 27 : i32
      }
      %scan3A_28 = arith.constant 6 : i32
    } else {
    }
    %eq3A_13 = arith.constant 1 : i32
    %eq3A_14 = arith.cmpi eq, %arg0, %eq3A_13 : i32
    %convert_element_type3A_15 = arith.extui %eq3A_14 : i1 to i32
    %cond3A_16 = arith.constant 0 : i32
    %cond3A_17 = arith.cmpi ne, %convert_element_type3A_15, %cond3A_16 : i32
    scf.if %cond3A_17 {
      %scan3A_24 = arith.constant 0 : i32
      %scan3A_25 = arith.constant 6 : i32
      %scan3A_26 = arith.addi %scan3A_24, %scan3A_25 : i32
      %scan3A_27 = arith.constant 1 : i32
      scf.for %scan3A_29 = %scan3A_24 to %scan3A_26 step %scan3A_27  : i32 {
        %mul3A_30 = arith.constant 1 : i32
        %mul3A_31 = arith.muli %scan3A_29, %mul3A_30 : i32
        %add3A_32 = arith.constant 0 : i32
        %add3A_33 = arith.addi %add3A_32, %mul3A_31 : i32
        %mul3A_34 = arith.constant 6 : i32
        %mul3A_35 = arith.muli %arg1, %mul3A_34 : i32
        %add3A_36 = arith.addi %mul3A_35, %add3A_33 : i32
        "tpu.region"() ({
          %run_scoped3A = tpu.sem_alloc : memref<!tpu.dma_semaphore, #tpu.memory_space<semaphore_mem>>
          %dma_start3A = arith.constant 0 : i32
          %dma_start3A_45 = arith.constant 0 : i32
          %dma_start3A_46 = tpu.memref_slice %arg2[%add3A_36, %dma_start3A, %dma_start3A_45] : memref<96x27x128xi32, #tpu.memory_space<hbm>> -> memref<1x27x128xi32, #tpu.memory_space<hbm>>
          %dma_start3A_47 = tpu.memref_squeeze %dma_start3A_46 : memref<1x27x128xi32, #tpu.memory_space<hbm>> -> memref<27x128xi32, #tpu.memory_space<hbm>>
          %dma_start3A_48 = arith.constant 0 : i32
          %dma_start3A_49 = arith.constant 0 : i32
          %dma_start3A_50 = tpu.memref_slice %arg2[%add3A_36, %dma_start3A_48, %dma_start3A_49] : memref<96x27x128xi32, #tpu.memory_space<hbm>> -> memref<1x27x128xi32, #tpu.memory_space<hbm>>
          %dma_start3A_51 = tpu.memref_squeeze %dma_start3A_50 : memref<1x27x128xi32, #tpu.memory_space<hbm>> -> memref<27x128xi32, #tpu.memory_space<hbm>>
          tpu.enqueue_dma source(%dma_start3A_51 : memref<27x128xi32, #tpu.memory_space<hbm>>) target(%arg12 : memref<27x128xi32, #tpu.memory_space<vmem>>) target_semaphore(%run_scoped3A : memref<!tpu.dma_semaphore, #tpu.memory_space<semaphore_mem>>)
          %dma_wait3A = arith.constant 0 : i32
          %dma_wait3A_52 = arith.constant 0 : i32
          %dma_wait3A_53 = tpu.memref_slice %arg2[%add3A_36, %dma_wait3A, %dma_wait3A_52] : memref<96x27x128xi32, #tpu.memory_space<hbm>> -> memref<1x27x128xi32, #tpu.memory_space<hbm>>
          %dma_wait3A_54 = tpu.memref_squeeze %dma_wait3A_53 : memref<1x27x128xi32, #tpu.memory_space<hbm>> -> memref<27x128xi32, #tpu.memory_space<hbm>>
          %dma_wait3A_55 = arith.constant 0 : i32
          %dma_wait3A_56 = arith.constant 0 : i32
          %dma_wait3A_57 = tpu.memref_slice %arg2[%add3A_36, %dma_wait3A_55, %dma_wait3A_56] : memref<96x27x128xi32, #tpu.memory_space<hbm>> -> memref<1x27x128xi32, #tpu.memory_space<hbm>>
          %dma_wait3A_58 = tpu.memref_squeeze %dma_wait3A_57 : memref<1x27x128xi32, #tpu.memory_space<hbm>> -> memref<27x128xi32, #tpu.memory_space<hbm>>
          tpu.wait_dma2 semaphore(%run_scoped3A : memref<!tpu.dma_semaphore, #tpu.memory_space<semaphore_mem>>) src(%dma_wait3A_58 : memref<27x128xi32, #tpu.memory_space<hbm>>) dst(%arg12 : memref<27x128xi32, #tpu.memory_space<vmem>>)
          tpu.yield
        }) : () -> ()
        %mul3A_37 = arith.constant 6 : i32
        %mul3A_38 = arith.muli %arg1, %mul3A_37 : i32
        %add3A_39 = arith.addi %mul3A_38, %add3A_33 : i32
        "tpu.region"() ({
          %run_scoped3A = tpu.sem_alloc : memref<!tpu.dma_semaphore, #tpu.memory_space<semaphore_mem>>
          %dma_start3A = arith.constant 0 : i32
          %dma_start3A_45 = arith.constant 0 : i32
          %dma_start3A_46 = tpu.memref_slice %arg3[%add3A_39, %dma_start3A, %dma_start3A_45] : memref<96x27x128xi32, #tpu.memory_space<hbm>> -> memref<1x27x128xi32, #tpu.memory_space<hbm>>
          %dma_start3A_47 = tpu.memref_squeeze %dma_start3A_46 : memref<1x27x128xi32, #tpu.memory_space<hbm>> -> memref<27x128xi32, #tpu.memory_space<hbm>>
          %dma_start3A_48 = arith.constant 0 : i32
          %dma_start3A_49 = arith.constant 0 : i32
          %dma_start3A_50 = tpu.memref_slice %arg3[%add3A_39, %dma_start3A_48, %dma_start3A_49] : memref<96x27x128xi32, #tpu.memory_space<hbm>> -> memref<1x27x128xi32, #tpu.memory_space<hbm>>
          %dma_start3A_51 = tpu.memref_squeeze %dma_start3A_50 : memref<1x27x128xi32, #tpu.memory_space<hbm>> -> memref<27x128xi32, #tpu.memory_space<hbm>>
          tpu.enqueue_dma source(%dma_start3A_51 : memref<27x128xi32, #tpu.memory_space<hbm>>) target(%arg13 : memref<27x128xi32, #tpu.memory_space<vmem>>) target_semaphore(%run_scoped3A : memref<!tpu.dma_semaphore, #tpu.memory_space<semaphore_mem>>)
          %dma_wait3A = arith.constant 0 : i32
          %dma_wait3A_52 = arith.constant 0 : i32
          %dma_wait3A_53 = tpu.memref_slice %arg3[%add3A_39, %dma_wait3A, %dma_wait3A_52] : memref<96x27x128xi32, #tpu.memory_space<hbm>> -> memref<1x27x128xi32, #tpu.memory_space<hbm>>
          %dma_wait3A_54 = tpu.memref_squeeze %dma_wait3A_53 : memref<1x27x128xi32, #tpu.memory_space<hbm>> -> memref<27x128xi32, #tpu.memory_space<hbm>>
          %dma_wait3A_55 = arith.constant 0 : i32
          %dma_wait3A_56 = arith.constant 0 : i32
          %dma_wait3A_57 = tpu.memref_slice %arg3[%add3A_39, %dma_wait3A_55, %dma_wait3A_56] : memref<96x27x128xi32, #tpu.memory_space<hbm>> -> memref<1x27x128xi32, #tpu.memory_space<hbm>>
          %dma_wait3A_58 = tpu.memref_squeeze %dma_wait3A_57 : memref<1x27x128xi32, #tpu.memory_space<hbm>> -> memref<27x128xi32, #tpu.memory_space<hbm>>
          tpu.wait_dma2 semaphore(%run_scoped3A : memref<!tpu.dma_semaphore, #tpu.memory_space<semaphore_mem>>) src(%dma_wait3A_58 : memref<27x128xi32, #tpu.memory_space<hbm>>) dst(%arg13 : memref<27x128xi32, #tpu.memory_space<vmem>>)
          tpu.yield
        }) : () -> ()
        %scan3A_40 = arith.constant 0 : i32
        %scan3A_41 = arith.constant 27 : i32
        %scan3A_42 = arith.addi %scan3A_40, %scan3A_41 : i32
        %scan3A_43 = arith.constant 1 : i32
        scf.for %scan3A_45 = %scan3A_40 to %scan3A_42 step %scan3A_43  : i32 {
          %mul3A_46 = arith.constant 1 : i32
          %mul3A_47 = arith.muli %scan3A_45, %mul3A_46 : i32
          %add3A_48 = arith.constant 0 : i32
          %add3A_49 = arith.addi %add3A_48, %mul3A_47 : i32
          %dma_start3A = arith.constant 0 : i32
          %dma_start3A_50 = tpu.memref_slice %arg12[%add3A_49, %dma_start3A] : memref<27x128xi32, #tpu.memory_space<vmem>> -> memref<1x128xi32, #tpu.memory_space<vmem>>
          %dma_start3A_51 = tpu.memref_squeeze %dma_start3A_50 : memref<1x128xi32, #tpu.memory_space<vmem>> -> memref<128xi32, #tpu.memory_space<vmem>>
          %dma_start3A_52 = arith.constant 0 : i32
          %dma_start3A_53 = arith.constant 0 : i32
          %dma_start3A_54 = tpu.memref_slice %arg8[%dma_start3A_52, %dma_start3A_53] : memref<10240x80xf32, #tpu.memory_space<hbm>> -> memref<10240x80xf32, #tpu.memory_space<hbm>>
          tpu.enqueue_indirect_dma source(%dma_start3A_54 : memref<10240x80xf32, #tpu.memory_space<hbm>>) target(%arg14 : memref<128x80xf32, #tpu.memory_space<vmem>>) offsets(%dma_start3A_51 : memref<128xi32, #tpu.memory_space<vmem>>) semaphore(%arg18 : memref<!tpu.dma_semaphore, #tpu.memory_space<semaphore_mem>>)
          %dma_wait3A = arith.constant 0 : i32
          %dma_wait3A_55 = tpu.memref_slice %arg12[%add3A_49, %dma_wait3A] : memref<27x128xi32, #tpu.memory_space<vmem>> -> memref<1x128xi32, #tpu.memory_space<vmem>>
          %dma_wait3A_56 = tpu.memref_squeeze %dma_wait3A_55 : memref<1x128xi32, #tpu.memory_space<vmem>> -> memref<128xi32, #tpu.memory_space<vmem>>
          %dma_wait3A_57 = arith.constant 0 : i32
          %dma_wait3A_58 = arith.constant 0 : i32
          %dma_wait3A_59 = tpu.memref_slice %arg8[%dma_wait3A_57, %dma_wait3A_58] : memref<10240x80xf32, #tpu.memory_space<hbm>> -> memref<10240x80xf32, #tpu.memory_space<hbm>>
          tpu.wait_indirect_dma semaphore(%arg18 : memref<!tpu.dma_semaphore, #tpu.memory_space<semaphore_mem>>) src(%dma_wait3A_59 : memref<10240x80xf32, #tpu.memory_space<hbm>>) dst(%arg14 : memref<128x80xf32, #tpu.memory_space<vmem>>)
          %scan3A_60 = arith.constant 0 : i32
          %scan3A_61 = arith.constant 8 : i32
          %scan3A_62 = arith.addi %scan3A_60, %scan3A_61 : i32
          %scan3A_63 = arith.constant 1 : i32
          scf.for %scan3A_70 = %scan3A_60 to %scan3A_62 step %scan3A_63  : i32 {
            %mul3A_71 = arith.constant 1 : i32
            %mul3A_72 = arith.muli %scan3A_70, %mul3A_71 : i32
            %add3A_73 = arith.constant 0 : i32
            %add3A_74 = arith.addi %add3A_73, %mul3A_72 : i32
            %mul3A_75 = arith.constant 16 : i32
            %mul3A_76 = arith.muli %add3A_74, %mul3A_75 : i32
            %get3A_77 = arith.index_cast %add3A_49 : i32 to index
            %get3A_78 = arith.index_cast %mul3A_76 : i32 to index
            %get3A_79 = tpu.vector_load %arg12[%get3A_77, %get3A_78] {strides = array<i32>} : memref<27x128xi32, #tpu.memory_space<vmem>>, vector<16xi32>,
            %get3A_80 = arith.index_cast %add3A_49 : i32 to index
            %get3A_81 = arith.index_cast %mul3A_76 : i32 to index
            %get3A_82 = tpu.vector_load %arg13[%get3A_80, %get3A_81] {strides = array<i32>} : memref<27x128xi32, #tpu.memory_space<vmem>>, vector<16xi32>,
            %gather3A = tpu.vector_load_idx %arg10[%get3A_79] : memref<10240xf32, #tpu.memory_space<vmem>>[vector<16xi32>], vector<16xf32>,
            %gather3A_83 = tpu.vector_load_idx %arg11[%get3A_82] : memref<10240xf32, #tpu.memory_space<vmem>>[vector<16xi32>], vector<16xf32>,
            %add3A_84 = arith.addf %gather3A, %gather3A_83 : vector<16xf32>
            %gt3A = arith.constant 0.000000e+00 : f32
            %gt3A_85 = vector.broadcast %gt3A : f32 to vector<16xf32>
            %gt3A_86 = arith.cmpf ogt, %add3A_84, %gt3A_85 : vector<16xf32>
            %mul3A_87 = arith.constant 2.000000e-01 : f32
            %mul3A_88 = vector.broadcast %mul3A_87 : f32 to vector<16xf32>
            %mul3A_89 = arith.mulf %add3A_84, %mul3A_88 : vector<16xf32>
            %select_n3A = arith.select %gt3A_86, %add3A_84, %mul3A_89 : vector<16xi1>, vector<16xf32>
            %sub3A = arith.subf %select_n3A, %get3A_10 : vector<16xf32>
            %exp3A = math.exp %sub3A : vector<16xf32>
            %swap3A = arith.index_cast %mul3A_76 : i32 to index
            %swap3A_90 = tpu.vector_load %arg15[%swap3A] {strides = array<i32>} : memref<128xf32, #tpu.memory_space<vmem>>, vector<16xf32>,
            tpu.vector_store %arg15[%swap3A], %exp3A {strides = array<i32>} : memref<128xf32, #tpu.memory_space<vmem>>, vector<16xf32>,
          }
          %scan3A_64 = arith.constant 8 : i32
          %scan3A_65 = arith.constant 0 : i32
          %scan3A_66 = arith.constant 128 : i32
          %scan3A_67 = arith.addi %scan3A_65, %scan3A_66 : i32
          %scan3A_68 = arith.constant 1 : i32
          scf.for %scan3A_70 = %scan3A_65 to %scan3A_67 step %scan3A_68  : i32 {
            %mul3A_71 = arith.constant 1 : i32
            %mul3A_72 = arith.muli %scan3A_70, %mul3A_71 : i32
            %add3A_73 = arith.constant 0 : i32
            %add3A_74 = arith.addi %add3A_73, %mul3A_72 : i32
            %broadcast_in_dim3A_75 = vector.broadcast %add3A_74 : i32 to vector<16xi32>
            %gather3A = tpu.vector_load_idx %arg15[%broadcast_in_dim3A_75] : memref<128xf32, #tpu.memory_space<vmem>>[vector<16xi32>], vector<16xf32>,
            %get3A_76 = arith.index_cast %add3A_74 : i32 to index
            %get3A_77 = arith.constant 0 : index
            %get3A_78 = tpu.vector_load %arg14[%get3A_76, %get3A_77] {strides = array<i32>} : memref<128x80xf32, #tpu.memory_space<vmem>>, vector<16xf32>,
            %mul3A_79 = arith.mulf %get3A_78, %gather3A : vector<16xf32>
            %swap3A = arith.index_cast %add3A_74 : i32 to index
            %swap3A_80 = arith.constant 0 : index
            %swap3A_81 = tpu.vector_load %arg14[%swap3A, %swap3A_80] {strides = array<i32>} : memref<128x80xf32, #tpu.memory_space<vmem>>, vector<16xf32>,
            tpu.vector_store %arg14[%swap3A, %swap3A_80], %mul3A_79 {strides = array<i32>} : memref<128x80xf32, #tpu.memory_space<vmem>>, vector<16xf32>,
            %get3A_82 = arith.index_cast %add3A_74 : i32 to index
            %get3A_83 = arith.constant 16 : index
            %get3A_84 = tpu.vector_load %arg14[%get3A_82, %get3A_83] {strides = array<i32>} : memref<128x80xf32, #tpu.memory_space<vmem>>, vector<16xf32>,
            %mul3A_85 = arith.mulf %get3A_84, %gather3A : vector<16xf32>
            %swap3A_86 = arith.index_cast %add3A_74 : i32 to index
            %swap3A_87 = arith.constant 16 : index
            %swap3A_88 = tpu.vector_load %arg14[%swap3A_86, %swap3A_87] {strides = array<i32>} : memref<128x80xf32, #tpu.memory_space<vmem>>, vector<16xf32>,
            tpu.vector_store %arg14[%swap3A_86, %swap3A_87], %mul3A_85 {strides = array<i32>} : memref<128x80xf32, #tpu.memory_space<vmem>>, vector<16xf32>,
            %get3A_89 = arith.index_cast %add3A_74 : i32 to index
            %get3A_90 = arith.constant 32 : index
            %get3A_91 = tpu.vector_load %arg14[%get3A_89, %get3A_90] {strides = array<i32>} : memref<128x80xf32, #tpu.memory_space<vmem>>, vector<16xf32>,
            %mul3A_92 = arith.mulf %get3A_91, %gather3A : vector<16xf32>
            %swap3A_93 = arith.index_cast %add3A_74 : i32 to index
            %swap3A_94 = arith.constant 32 : index
            %swap3A_95 = tpu.vector_load %arg14[%swap3A_93, %swap3A_94] {strides = array<i32>} : memref<128x80xf32, #tpu.memory_space<vmem>>, vector<16xf32>,
            tpu.vector_store %arg14[%swap3A_93, %swap3A_94], %mul3A_92 {strides = array<i32>} : memref<128x80xf32, #tpu.memory_space<vmem>>, vector<16xf32>,
            %get3A_96 = arith.index_cast %add3A_74 : i32 to index
            %get3A_97 = arith.constant 48 : index
            %get3A_98 = tpu.vector_load %arg14[%get3A_96, %get3A_97] {strides = array<i32>} : memref<128x80xf32, #tpu.memory_space<vmem>>, vector<16xf32>,
            %mul3A_99 = arith.mulf %get3A_98, %gather3A : vector<16xf32>
            %swap3A_100 = arith.index_cast %add3A_74 : i32 to index
            %swap3A_101 = arith.constant 48 : index
            %swap3A_102 = tpu.vector_load %arg14[%swap3A_100, %swap3A_101] {strides = array<i32>} : memref<128x80xf32, #tpu.memory_space<vmem>>, vector<16xf32>,
            tpu.vector_store %arg14[%swap3A_100, %swap3A_101], %mul3A_99 {strides = array<i32>} : memref<128x80xf32, #tpu.memory_space<vmem>>, vector<16xf32>,
            %get3A_103 = arith.index_cast %add3A_74 : i32 to index
            %get3A_104 = arith.constant 64 : index
            %get3A_105 = tpu.vector_load %arg14[%get3A_103, %get3A_104] {strides = array<i32>} : memref<128x80xf32, #tpu.memory_space<vmem>>, vector<16xf32>,
            %mul3A_106 = arith.mulf %get3A_105, %gather3A : vector<16xf32>
            %swap3A_107 = arith.index_cast %add3A_74 : i32 to index
            %swap3A_108 = arith.constant 64 : index
            %swap3A_109 = tpu.vector_load %arg14[%swap3A_107, %swap3A_108] {strides = array<i32>} : memref<128x80xf32, #tpu.memory_space<vmem>>, vector<16xf32>,
            tpu.vector_store %arg14[%swap3A_107, %swap3A_108], %mul3A_106 {strides = array<i32>} : memref<128x80xf32, #tpu.memory_space<vmem>>, vector<16xf32>,
          }
          %scan3A_69 = arith.constant 128 : i32
          "tpu.region"() ({
            %run_scoped3A = tpu.sem_alloc : memref<!tpu.dma_semaphore, #tpu.memory_space<semaphore_mem>>
            %dma_start3A_70 = arith.constant 0 : i32
            %dma_start3A_71 = tpu.memref_slice %arg13[%add3A_49, %dma_start3A_70] : memref<27x128xi32, #tpu.memory_space<vmem>> -> memref<1x128xi32, #tpu.memory_space<vmem>>
            %dma_start3A_72 = tpu.memref_squeeze %dma_start3A_71 : memref<1x128xi32, #tpu.memory_space<vmem>> -> memref<128xi32, #tpu.memory_space<vmem>>
            %dma_start3A_73 = arith.constant 0 : i32
            %dma_start3A_74 = arith.constant 0 : i32
            %dma_start3A_75 = tpu.memref_slice %arg17[%dma_start3A_73, %dma_start3A_74] : memref<10240x80xf32, #tpu.memory_space<vmem_shared>> -> memref<10240x80xf32, #tpu.memory_space<vmem_shared>>
            tpu.enqueue_indirect_dma source(%arg14 : memref<128x80xf32, #tpu.memory_space<vmem>>) target(%dma_start3A_75 : memref<10240x80xf32, #tpu.memory_space<vmem_shared>>) offsets(%dma_start3A_72 : memref<128xi32, #tpu.memory_space<vmem>>) semaphore(%run_scoped3A : memref<!tpu.dma_semaphore, #tpu.memory_space<semaphore_mem>>) {add = true}
            %dma_wait3A_76 = arith.constant 0 : i32
            %dma_wait3A_77 = tpu.memref_slice %arg13[%add3A_49, %dma_wait3A_76] : memref<27x128xi32, #tpu.memory_space<vmem>> -> memref<1x128xi32, #tpu.memory_space<vmem>>
            %dma_wait3A_78 = tpu.memref_squeeze %dma_wait3A_77 : memref<1x128xi32, #tpu.memory_space<vmem>> -> memref<128xi32, #tpu.memory_space<vmem>>
            %dma_wait3A_79 = arith.constant 0 : i32
            %dma_wait3A_80 = arith.constant 0 : i32
            %dma_wait3A_81 = tpu.memref_slice %arg17[%dma_wait3A_79, %dma_wait3A_80] : memref<10240x80xf32, #tpu.memory_space<vmem_shared>> -> memref<10240x80xf32, #tpu.memory_space<vmem_shared>>
            tpu.wait_indirect_dma semaphore(%run_scoped3A : memref<!tpu.dma_semaphore, #tpu.memory_space<semaphore_mem>>) src(%arg14 : memref<128x80xf32, #tpu.memory_space<vmem>>) dst(%dma_wait3A_81 : memref<10240x80xf32, #tpu.memory_space<vmem_shared>>)
            tpu.yield
          }) : () -> ()
        }
        %scan3A_44 = arith.constant 27 : i32
      }
      %scan3A_28 = arith.constant 6 : i32
    } else {
    }
    %barrier3A_18 = arith.constant 0 : index
    tpu.barrier barrier_id(%barrier3A_18)
    %mul3A = arith.constant 640 : i32
    %mul3A_19 = arith.muli %arg1, %mul3A : i32
    %mul3A_20 = arith.constant 10240 : i32
    %mul3A_21 = arith.muli %arg0, %mul3A_20 : i32
    %mul3A_22 = arith.constant 640 : i32
    %mul3A_23 = arith.muli %arg1, %mul3A_22 : i32
    %add3A = arith.addi %mul3A_21, %mul3A_23 : i32
    "tpu.region"() ({
      %run_scoped3A = tpu.sem_alloc : memref<!tpu.dma_semaphore, #tpu.memory_space<semaphore_mem>>
      %dma_start3A = arith.constant 0 : i32
      %dma_start3A_24 = tpu.memref_slice %arg9[%add3A, %dma_start3A] : memref<20480x80xf32, #tpu.memory_space<hbm>> -> memref<640x80xf32, #tpu.memory_space<hbm>>
      %dma_start3A_25 = arith.constant 0 : i32
      %dma_start3A_26 = tpu.memref_slice %arg17[%mul3A_19, %dma_start3A_25] : memref<10240x80xf32, #tpu.memory_space<vmem_shared>> -> memref<640x80xf32, #tpu.memory_space<vmem_shared>>
      tpu.enqueue_dma source(%dma_start3A_26 : memref<640x80xf32, #tpu.memory_space<vmem_shared>>) target(%dma_start3A_24 : memref<640x80xf32, #tpu.memory_space<hbm>>) target_semaphore(%run_scoped3A : memref<!tpu.dma_semaphore, #tpu.memory_space<semaphore_mem>>)
      %dma_wait3A = arith.constant 0 : i32
      %dma_wait3A_27 = tpu.memref_slice %arg9[%add3A, %dma_wait3A] : memref<20480x80xf32, #tpu.memory_space<hbm>> -> memref<640x80xf32, #tpu.memory_space<hbm>>
      %dma_wait3A_28 = arith.constant 0 : i32
      %dma_wait3A_29 = tpu.memref_slice %arg17[%mul3A_19, %dma_wait3A_28] : memref<10240x80xf32, #tpu.memory_space<vmem_shared>> -> memref<640x80xf32, #tpu.memory_space<vmem_shared>>
      tpu.wait_dma2 semaphore(%run_scoped3A : memref<!tpu.dma_semaphore, #tpu.memory_space<semaphore_mem>>) src(%dma_wait3A_29 : memref<640x80xf32, #tpu.memory_space<vmem_shared>>) dst(%dma_wait3A_27 : memref<640x80xf32, #tpu.memory_space<hbm>>)
      tpu.yield
    }) : () -> ()
    return
  }
}

module attributes {stable_mosaic.version = 14 : i64} {
  func.func @_proj_body(%arg0: memref<10000x128xf32, #tpu.memory_space<vmem>>, %arg1: memref<128x128xf32, #tpu.memory_space<vmem>>, %arg2: memref<128x1xf32, #tpu.memory_space<vmem>>, %arg3: memref<128x1xf32, #tpu.memory_space<vmem>>, %arg4: memref<10000x128xf32, #tpu.memory_space<vmem>>, %arg5: memref<10000x1xf32, #tpu.memory_space<vmem>>, %arg6: memref<10000x1xf32, #tpu.memory_space<vmem>>, %arg7: memref<1x1xf32, #tpu.memory_space<smem>>) attributes {dimension_semantics = [], scalar_prefetch = 0 : i64, scratch_operands = 0 : i64, tpu.core_type = #tpu.core_type<tc>} {
    %get3A = arith.constant 0 : index
    %get3A_0 = arith.constant 0 : index
    %get3A_1 = vector.load %arg0[%get3A, %get3A_0] : memref<10000x128xf32, #tpu.memory_space<vmem>>, vector<10000x128xf32>
    %get3A_2 = arith.constant 0 : index
    %get3A_3 = arith.constant 0 : index
    %get3A_4 = vector.load %arg1[%get3A_2, %get3A_3] : memref<128x128xf32, #tpu.memory_space<vmem>>, vector<128x128xf32>
    %dot_general3A = arith.constant dense<0.000000e+00> : vector<10000x128xf32>
    %dot_general3A_5 = tpu.matmul %get3A_1, %get3A_4, %dot_general3A {dimension_numbers = #tpu.dot_dimension_numbers<[1], [0], [0], [1], [0, 0, 1, 1], [], []>, transpose_lhs_hint = false} : vector<10000x128xf32>, vector<128x128xf32>, vector<10000x128xf32> -> vector<10000x128xf32>
    %swap3A = arith.constant 0 : index
    %swap3A_6 = arith.constant 0 : index
    %swap3A_7 = vector.load %arg4[%swap3A, %swap3A_6] : memref<10000x128xf32, #tpu.memory_space<vmem>>, vector<10000x128xf32>
    tpu.vector_store %arg4[%swap3A, %swap3A_6], %dot_general3A_5 {strides = array<i32>} : memref<10000x128xf32, #tpu.memory_space<vmem>>, vector<10000x128xf32>,
    %get3A_8 = arith.constant 0 : index
    %get3A_9 = arith.constant 0 : index
    %get3A_10 = vector.load %arg2[%get3A_8, %get3A_9] : memref<128x1xf32, #tpu.memory_space<vmem>>, vector<128x1xf32>
    %dot_general3A_11 = arith.constant dense<0.000000e+00> : vector<10000x1xf32>
    %dot_general3A_12 = tpu.matmul %dot_general3A_5, %get3A_10, %dot_general3A_11 {dimension_numbers = #tpu.dot_dimension_numbers<[1], [0], [0], [1], [0, 0, 1, 1], [], []>, transpose_lhs_hint = false} : vector<10000x128xf32>, vector<128x1xf32>, vector<10000x1xf32> -> vector<10000x1xf32>
    %get3A_13 = arith.constant 0 : index
    %get3A_14 = arith.constant 0 : index
    %get3A_15 = vector.load %arg3[%get3A_13, %get3A_14] : memref<128x1xf32, #tpu.memory_space<vmem>>, vector<128x1xf32>
    %dot_general3A_16 = arith.constant dense<0.000000e+00> : vector<10000x1xf32>
    %dot_general3A_17 = tpu.matmul %dot_general3A_5, %get3A_15, %dot_general3A_16 {dimension_numbers = #tpu.dot_dimension_numbers<[1], [0], [0], [1], [0, 0, 1, 1], [], []>, transpose_lhs_hint = false} : vector<10000x128xf32>, vector<128x1xf32>, vector<10000x1xf32> -> vector<10000x1xf32>
    %swap3A_18 = arith.constant 0 : index
    %swap3A_19 = arith.constant 0 : index
    %swap3A_20 = vector.load %arg5[%swap3A_18, %swap3A_19] : memref<10000x1xf32, #tpu.memory_space<vmem>>, vector<10000x1xf32>
    tpu.vector_store %arg5[%swap3A_18, %swap3A_19], %dot_general3A_12 {strides = array<i32>} : memref<10000x1xf32, #tpu.memory_space<vmem>>, vector<10000x1xf32>,
    %swap3A_21 = arith.constant 0 : index
    %swap3A_22 = arith.constant 0 : index
    %swap3A_23 = vector.load %arg6[%swap3A_21, %swap3A_22] : memref<10000x1xf32, #tpu.memory_space<vmem>>, vector<10000x1xf32>
    tpu.vector_store %arg6[%swap3A_21, %swap3A_22], %dot_general3A_17 {strides = array<i32>} : memref<10000x1xf32, #tpu.memory_space<vmem>>, vector<10000x1xf32>,
    %reduce_max3A = vector.shape_cast %dot_general3A_12 : vector<10000x1xf32> to vector<1x10000x1xf32>
    %reduce_max3A_24 = arith.constant dense<0xFF800000> : vector<1xf32>
    %reduce_max3A_25 = vector.multi_reduction <maximumf>, %reduce_max3A, %reduce_max3A_24 [1, 2] : vector<1x10000x1xf32> to vector<1xf32>
    %reduce_max3A_26 = vector.shape_cast %reduce_max3A_25 : vector<1xf32> to vector<1x1x1xf32>
    %reduce_max3A_27 = vector.extract %reduce_max3A_26[0, 0, 0] : f32 from vector<1x1x1xf32>
    %reduce_max3A_28 = vector.shape_cast %dot_general3A_17 : vector<10000x1xf32> to vector<1x10000x1xf32>
    %reduce_max3A_29 = arith.constant dense<0xFF800000> : vector<1xf32>
    %reduce_max3A_30 = vector.multi_reduction <maximumf>, %reduce_max3A_28, %reduce_max3A_29 [1, 2] : vector<1x10000x1xf32> to vector<1xf32>
    %reduce_max3A_31 = vector.shape_cast %reduce_max3A_30 : vector<1xf32> to vector<1x1x1xf32>
    %reduce_max3A_32 = vector.extract %reduce_max3A_31[0, 0, 0] : f32 from vector<1x1x1xf32>
    %add3A = arith.addf %reduce_max3A_27, %reduce_max3A_32 : f32
    %gt3A = arith.constant 0.000000e+00 : f32
    %gt3A_33 = arith.cmpf ogt, %add3A, %gt3A : f32
    %mul3A = arith.constant 2.000000e-01 : f32
    %mul3A_34 = arith.mulf %mul3A, %add3A : f32
    %select_n3A = arith.select %gt3A_33, %add3A, %mul3A_34 : f32
    %swap3A_35 = arith.constant 0 : index
    %swap3A_36 = arith.constant 0 : index
    %swap3A_37 = memref.load %arg7[%swap3A_35, %swap3A_36] : memref<1x1xf32, #tpu.memory_space<smem>>
    memref.store %select_n3A, %arg7[%swap3A_35, %swap3A_36] : memref<1x1xf32, #tpu.memory_space<smem>>
    return
  }
}

module attributes {stable_mosaic.version = 14 : i64} {
  func.func @_fin_body(%arg0: i32, %arg1: memref<1000x80xf32, #tpu.memory_space<vmem>>, %arg2: memref<1000x80xf32, #tpu.memory_space<vmem>>, %arg3: memref<1x128xf32, #tpu.memory_space<vmem>>, %arg4: memref<1000x128xf32, #tpu.memory_space<vmem>>) attributes {dimension_semantics = [#tpu.dimension_semantics<arbitrary>], iteration_bounds = array<i64: 10>, scalar_prefetch = 0 : i64, scratch_operands = 0 : i64, tpu.core_type = #tpu.core_type<tc>, window_params = [{transform_indices = @transform_0, window_bounds = array<i64: 1000, 80>}, {transform_indices = @transform_1, window_bounds = array<i64: 1000, 80>}, {pipeline_mode = #tpu.pipeline_mode<synchronous>, transform_indices = @transform_2, window_bounds = array<i64: 1, 128>}, {transform_indices = @transform_3, window_bounds = array<i64: 1000, 128>}]} {
    %get3A = arith.constant 0 : index
    %get3A_0 = arith.constant 0 : index
    %get3A_1 = vector.load %arg1[%get3A, %get3A_0] : memref<1000x80xf32, #tpu.memory_space<vmem>>, vector<1000x80xf32>
    %get3A_2 = arith.constant 0 : index
    %get3A_3 = arith.constant 0 : index
    %get3A_4 = vector.load %arg2[%get3A_2, %get3A_3] : memref<1000x80xf32, #tpu.memory_space<vmem>>, vector<1000x80xf32>
    %get3A_5 = arith.constant 0 : index
    %get3A_6 = arith.constant 0 : index
    %get3A_7 = vector.load %arg3[%get3A_5, %get3A_6] : memref<1x128xf32, #tpu.memory_space<vmem>>, vector<1x128xf32>
    %slice3A = vector.extract_strided_slice %get3A_1 {offsets = [0, 0], sizes = [1000, 64], strides = [1, 1]} : vector<1000x80xf32> to vector<1000x64xf32>
    %slice3A_8 = vector.extract_strided_slice %get3A_1 {offsets = [0, 64], sizes = [1000, 1], strides = [1, 1]} : vector<1000x80xf32> to vector<1000x1xf32>
    %add3A = arith.constant 1.000000e-16 : f32
    %add3A_9 = vector.broadcast %add3A : f32 to vector<1000x1xf32>
    %add3A_10 = arith.addf %slice3A_8, %add3A_9 : vector<1000x1xf32>
    %div3A = vector.broadcast %add3A_10 : vector<1000x1xf32> to vector<1000x64xf32>
    %div3A_11 = arith.divf %slice3A, %div3A : vector<1000x64xf32>
    %slice3A_12 = vector.extract_strided_slice %get3A_7 {offsets = [0, 0], sizes = [1, 64], strides = [1, 1]} : vector<1x128xf32> to vector<1x64xf32>
    %add3A_13 = vector.broadcast %slice3A_12 : vector<1x64xf32> to vector<1000x64xf32>
    %add3A_14 = arith.addf %div3A_11, %add3A_13 : vector<1000x64xf32>
    %swap3A = arith.constant 0 : index
    %swap3A_15 = arith.constant 0 : index
    %swap3A_16 = vector.load %arg4[%swap3A, %swap3A_15] : memref<1000x128xf32, #tpu.memory_space<vmem>>, vector<1000x64xf32>
    tpu.vector_store %arg4[%swap3A, %swap3A_15], %add3A_14 {strides = array<i32>} : memref<1000x128xf32, #tpu.memory_space<vmem>>, vector<1000x64xf32>,
    %slice3A_17 = vector.extract_strided_slice %get3A_4 {offsets = [0, 0], sizes = [1000, 64], strides = [1, 1]} : vector<1000x80xf32> to vector<1000x64xf32>
    %slice3A_18 = vector.extract_strided_slice %get3A_4 {offsets = [0, 64], sizes = [1000, 1], strides = [1, 1]} : vector<1000x80xf32> to vector<1000x1xf32>
    %add3A_19 = arith.constant 1.000000e-16 : f32
    %add3A_20 = vector.broadcast %add3A_19 : f32 to vector<1000x1xf32>
    %add3A_21 = arith.addf %slice3A_18, %add3A_20 : vector<1000x1xf32>
    %div3A_22 = vector.broadcast %add3A_21 : vector<1000x1xf32> to vector<1000x64xf32>
    %div3A_23 = arith.divf %slice3A_17, %div3A_22 : vector<1000x64xf32>
    %slice3A_24 = vector.extract_strided_slice %get3A_7 {offsets = [0, 64], sizes = [1, 64], strides = [1, 1]} : vector<1x128xf32> to vector<1x64xf32>
    %add3A_25 = vector.broadcast %slice3A_24 : vector<1x64xf32> to vector<1000x64xf32>
    %add3A_26 = arith.addf %div3A_23, %add3A_25 : vector<1000x64xf32>
    %swap3A_27 = arith.constant 0 : index
    %swap3A_28 = arith.constant 64 : index
    %swap3A_29 = vector.load %arg4[%swap3A_27, %swap3A_28] : memref<1000x128xf32, #tpu.memory_space<vmem>>, vector<1000x64xf32>
    tpu.vector_store %arg4[%swap3A_27, %swap3A_28], %add3A_26 {strides = array<i32>} : memref<1000x128xf32, #tpu.memory_space<vmem>>, vector<1000x64xf32>,
    return
  }
  func.func @transform_0(%arg0: i32) -> (i32, i32) {
    %c0_i32 = arith.constant 0 : i32
    %c0_i32_0 = arith.constant 0 : i32
    return %arg0, %c0_i32 : i32, i32
  }
  func.func @transform_1(%arg0: i32) -> (i32, i32) {
    %c0_i32 = arith.constant 0 : i32
    %c0_i32_0 = arith.constant 0 : i32
    return %arg0, %c0_i32 : i32, i32
  }
  func.func @transform_2(%arg0: i32) -> (i32, i32) {
    %c0_i32 = arith.constant 0 : i32
    %c0_i32_0 = arith.constant 0 : i32
    %c0_i32_1 = arith.constant 0 : i32
    return %c0_i32, %c0_i32_0 : i32, i32
  }
  func.func @transform_3(%arg0: i32) -> (i32, i32) {
    %c0_i32 = arith.constant 0 : i32
    %c0_i32_0 = arith.constant 0 : i32
    return %arg0, %c0_i32 : i32, i32
  }
}

</mosaic_0001>

<sc_bundles>
// kernel: kernel.5.cloned.1.call-start
scs
__scs_entry_jumppad:
0x0: {  	(pc) =	sbr.rel $0x88, $3  }
0x1: {  	(tag) =	ssettag $0x0;
	lr =	simm.s32 $0x1  }
0x2: {  	[smem:$0x3F9B] =	sst lr;
	_ =	strace $0xD0000000  }
0x3: {  	_ = 	snop  }
0x4: {  	_ = 	snop  }
0x5: {  	_ = 	snop  }
0x6: {  	_ = 	snop  }
0x7: {  	_ = 	snop  }
__scs_overlays_trampoline_lowered:
0x8: {  	[smem:$0x3FAA] =	sst s0  }
0x9: {  	[smem:$0x3FAB] =	sst s1  }
0xa: {  	[smem:$0x3FAC] =	sst s2  }
0xb: {  	[smem:$0x3FAD] =	sst s3  }
0xc: {  	[smem:$0x3FAE] =	sst s4  }
0xd: {  	[smem:$0x3FAF] =	sst s5  }
0xe: {  	[smem:$0x3FB0] =	sst s6  }
0xf: {  	[smem:$0x3FB1] =	sst s7  }
0x10: {  	[smem:$0x3FB2] =	sst s8  }
0x11: {  	[smem:$0x3FB3] =	sst s9;
	s0 =	simm.s32 @!p0 $0x0  }
0x12: {  	s1 =	sld [smem:$0x3F99];
	s0 =	simm.s32 @p0 $0x1  }
0x13: {  	[smem:$0x3FB4] =	sst s0;
	s0 =	simm.s32 @!p1 $0x0  }
0x14: {  	s2 =	sld [smem:$0x3F98];
	s0 =	simm.s32 @p1 $0x1  }
0x15: {  	[smem:$0x3FB5] =	sst s0;
	s0 =	simm.s32 @!p2 $0x0  }
0x16: {  	s3 =	sld [smem:$0x3FDB];
	s0 =	simm.s32 @p2 $0x1  }
0x17: {  	s4 =	simm.s32 $0x1BF5;
	[smem:$0x3FB7] =	sst s0  }
0x18: {  	s0 =	sld [smem:$0x3F9A];
	_ =	swait.ge [sflag:s4], $0x0  }
0x19: {  	s7 =	sld [smem:$0x3F9B]  }
0x1a: {  	s8 =	sadd.s32 $0xFFFFE003, lr  }
0x1b: {  	s9 =	sadd.s32 $0xFFFFFEF7, lr;
	s5 =	simm.s32 $0xFFFFFFFF;
	p2 =	slt.u32 s8, $0xFFFFF086  }
0x1c: {  	p1 =	slt.u32 s9, $0xF7A;
	s5 =	simm.s32 @!p2 $0x0  }
0x1d: {  	s5 =	simm.s32 @p1 $0x1;
	p0 =	seq.s32 s7, s2  }
0x1e: {  	s7 =	smul.u32 @!p0 $0xF7A, s2;
	p2 =	seq.s32 @!p0 s5, $0x0  }
0x1f: {  	s9 =	smul.u32 $0xF7A, s1;
	s8 =	simm.s32 @!p0 $0x1BF5;
	p2 =	por !p2, p0  }
0x20: {  	[sflag:s8] =	ssyncset.s32 @!p0 $0xFFFFF086;
	s6 =	sadd.s32 @!p0 s3, s7;
	s7 =	simm.s32 @!p0 $0x108  }
0x21: {  	s3 =	sadd.s32 s3, s9;
	s6 =	sadd.s32 @!p0 $0x88, s6;
	s7 =	simm.s32 @p2 $0x1082  }
0x22: {  	[simem:s7], [sflag:s8] =	dma.local @!p0 [hbm:s6], $0xF7A  }
0x23: {  	s9 =	sor.u32 $0xD0000000, s2;
	s6 =	simm.s32 $0x108;
	_ =	swait.ge @!p0 [sflag:s8], $0x0  }
0x24: {  	s3 =	sadd.s32 $0x88, s3;
	s6 =	simm.s32 @!p1 $0x1082;
	[sflag:s4] =	ssyncset.s32 $0xFFFFF086  }
0x25: {  	[simem:s6], [sflag:s4] =	dma.local [hbm:s3], $0xF7A  }
0x26: {  	[smem:$0x3F9B] =	sst s1;
	(tag) =	ssettag s2;
	_ =	strace s9  }
0x27: {  	s1 =	sld [smem:$0x3FAB]  }
0x28: {  	s2 =	sld [smem:$0x3FAC]  }
0x29: {  	s4 =	sld [smem:$0x3FAE]  }
0x2a: {  	p0 =	seq.s32 s5, $0x0;
	s5 =	sld [smem:$0x3FAF]  }
0x2b: {  	s6 =	sld [smem:$0x3FB0]  }
0x2c: {  	s7 =	sld [smem:$0x3FB1]  }
0x2d: {  	s3 =	simm.s32 $0x108;
	s8 =	sld [smem:$0x3FB2]  }
0x2e: {  	s3 =	simm.s32 @!p0 $0x1082;
	s9 =	sld [smem:$0x3FB3]  }
0x2f: {  	lr =	sadd.s32 s0, s3;
	s0 =	sld [smem:$0x3FAA]  }
0x30: {  	s3 =	sld [smem:$0x3FAD]  }
0x31: {  	[smem:$0x3FB6] =	sst s10  }
0x32: {  	s10 =	sld [smem:$0x3FB4];
	_ =	sdelay $0x3  }
0x33: {  	p0 =	seq.s32 s10, $0x1;
	s10 =	sld [smem:$0x3FB6];
	_ =	sdelay $0x3  }
0x34: {  	[smem:$0x3FB6] =	sst s10  }
0x35: {  	s10 =	sld [smem:$0x3FB5];
	_ =	sdelay $0x3  }
0x36: {  	p1 =	seq.s32 s10, $0x1;
	s10 =	sld [smem:$0x3FB6];
	_ =	sdelay $0x3  }
0x37: {  	[smem:$0x3FB6] =	sst s10  }
0x38: {  	s10 =	sld [smem:$0x3FB7]  }
0x39: {  	_ = 	snop;
	(pc) =	sbr.ind lr, $3  }
0x3a: {  	_ = 	snop  }
0x3b: {  	_ = 	snop  }
0x3c: {  	p2 =	seq.s32 s10, $0x1;
	s10 =	sld [smem:$0x3FB6]  }
0x3d: {  	_ =	shalt  }
0x3e: {  	_ =	shalt  }
0x3f: {  	_ =	shalt  }
0x40: {  	_ =	shalt  }
0x41: {  	_ =	shalt  }
0x42: {  	_ =	shalt  }
0x43: {  	_ =	shalt  }
0x44: {  	_ =	shalt  }
0x45: {  	_ =	shalt  }
0x46: {  	_ =	shalt  }
0x47: {  	_ =	shalt  }
0x48: {  	_ =	shalt  }
0x49: {  	_ =	shalt  }
0x4a: {  	_ =	shalt  }
0x4b: {  	_ =	shalt  }
0x4c: {  	_ =	shalt  }
0x4d: {  	_ =	shalt  }
0x4e: {  	_ =	shalt  }
0x4f: {  	_ =	shalt  }
0x50: {  	_ =	shalt  }
0x51: {  	_ =	shalt  }
0x52: {  	_ =	shalt  }
0x53: {  	_ =	shalt  }
0x54: {  	_ =	shalt  }
0x55: {  	_ =	shalt  }
0x56: {  	_ =	shalt  }
0x57: {  	_ =	shalt  }
0x58: {  	_ =	shalt  }
0x59: {  	_ =	shalt  }
0x5a: {  	_ =	shalt  }
0x5b: {  	_ =	shalt  }
0x5c: {  	_ =	shalt  }
0x5d: {  	_ =	shalt  }
0x5e: {  	_ =	shalt  }
0x5f: {  	_ =	shalt  }
0x60: {  	_ =	shalt  }
0x61: {  	_ =	shalt  }
0x62: {  	_ =	shalt  }
0x63: {  	_ =	shalt  }
0x64: {  	_ =	shalt  }
0x65: {  	_ =	shalt  }
0x66: {  	_ =	shalt  }
0x67: {  	_ =	shalt  }
0x68: {  	_ =	shalt  }
0x69: {  	_ =	shalt  }
0x6a: {  	_ =	shalt  }
0x6b: {  	_ =	shalt  }
0x6c: {  	_ =	shalt  }
0x6d: {  	_ =	shalt  }
0x6e: {  	_ =	shalt  }
0x6f: {  	_ =	shalt  }
0x70: {  	_ =	shalt  }
0x71: {  	_ =	shalt  }
0x72: {  	_ =	shalt  }
0x73: {  	_ =	shalt  }
0x74: {  	_ =	shalt  }
0x75: {  	_ =	shalt  }
0x76: {  	_ =	shalt  }
0x77: {  	_ =	shalt  }
0x78: {  	_ =	shalt  }
0x79: {  	_ =	shalt  }
0x7a: {  	_ =	shalt  }
0x7b: {  	_ =	shalt  }
0x7c: {  	_ =	shalt  }
0x7d: {  	_ =	shalt  }
0x7e: {  	_ =	shalt  }
0x7f: {  	_ =	shalt  }
0x80: {  	_ =	shalt  }
0x81: {  	_ =	shalt  }
0x82: {  	_ =	shalt  }
0x83: {  	_ =	shalt  }
0x84: {  	_ =	shalt  }
0x85: {  	_ =	shalt  }
0x86: {  	_ =	shalt  }
0x87: {  	_ =	shalt  }
.Lfunc_end0:
.L_simem_size_0:
called_computation_lowered:
.L_overlay_start_0:
0x88: {  	s2 =	sld [smem:$0x3FD9]  }
0x89: {  	s3 =	sld [smem:$0x3FFE];
	_ =	sdelay $0x1  }
0x8a: {  	s1 =	srdreg.scid  }
0x8b: {  	s0 =	sand.u32 $0x1, s1  }
0x8c: {  	s17 =	sshll.u32 s0, $0xA;
	s2 =	sadd.s32 s3, s2  }
0x8d: {  	s2 =	sadd.s32 s2, s17  }
0x8e: {  	[smem:$0x3FC2] =	sst s2  }
0x8f: {  	_ = 	snop  }
0x90: {  	s2 =	sld [smem:$0x3FD0];
	(tm) =	ssettm $0x1  }
0x91: {  	s18 =	sld [smem:$0x3FFB];
	_ =	sdelay $0x3  }
0x92: {  	_ =	strace s18  }
0x93: {  	s3 =	sld [smem:$0x3FFC];
	_ =	sdelay $0x3  }
0x94: {  	_ =	strace s3  }
0x95: {  	s3 =	sld [smem:$0x3FFD];
	_ =	sdelay $0x3  }
0x96: {  	_ =	strace s3  }
0x97: {  	_ =	strace $0x8FFFFFFF  }
0x98: {  	s19 =	sld [smem:$0x3FDB];
	_ =	sdelay $0x1  }
0x99: {  	s4 =	simm.s32 $_scs_section_size  }
0x9a: {  	s5 =	simm.s32 $_size__tile_overlayer_lowered;
	s6 =	simm.s32 $_tile_overlayer_lowered  }
0x9b: {  	s22 =	simm.s32 $0x1BFF;
	s21 =	sshll.u32 s6, $0x1;
	s3 =	sadd.s32 s4, s19  }
0x9c: {  	s7 =	simm.s32 $0x0;
	s20 =	sshll.u32 s5, $0x1;
	s5 =	sadd.s32 s21, s3  }
0x9d: {  	[timem:s7], [sflag:s22] =	dma.local [hbm:s5], s20  }
0x9e: {  	_ =	swait.ge [sflag:s22], s20  }
0x9f: {  	s4 =	ssub.s32 $0x0, s20;
	[sflag:s22] =	ssyncset.done $0x0  }
0xa0: {  	[sflag:s22] =	ssyncadd.s32 s4;
	_ =	sdelay $0x1  }
0xa1: {  	s23 =	simm.s32 $0x1B8B  }
0xa2: {  	_ =	swait.ge [sflag:s23], $0x1  }
0xa3: {  	[sflag:s23] =	ssyncset.done $0x0  }
0xa4: {  	s25 =	simm.s32 $0x1B8E;
	s24 =	sld [smem:$0x3FFE];
	[sflag:s23] =	ssyncadd.s32 $0xFFFFFFFF  }
0xa5: {  	s26 =	simm.s32 $execute0_lowered;
	[smem:$0x3FD2] =	sst s25  }
0xa6: {  	s5 =	sshll.u32 s26, $0x1;
	_ =	strace $0x80000046;
	[dreg:$0x1] =	wrdreg $0xFFFFFFFF  }
0xa7: {  	s28 =	simm.s32 $_size_execute0_lowered;
	s3 =	sadd.s32 s3, s5;
	[dreg:$0x0] =	wrdreg $0x0  }
0xa8: {  	s5 =	sshll.u32 s28, $0x1;
	[dreg:$0x2] =	wrdreg s3  }
0xa9: {  	[dreg:$0x3] =	wrdreg s5  }
0xaa: {  	[dreg:$0x4] =	wrdreg $0xC0  }
0xab: {  	_ =	task [dreg:s7], $0x5FFFF  }
0xac: {  	[dreg:$0x1] =	wrdreg $0xFFFFFFFF  }
0xad: {  	[dreg:$0x0] =	wrdreg $0x60  }
0xae: {  	[dreg:$0x2] =	wrdreg s24  }
0xaf: {  	[dreg:$0x3] =	wrdreg s2  }
0xb0: {  	[dreg:$0x4] =	wrdreg $0x93900  }
0xb1: {  	[dreg:$0x5] =	wrdreg $0x9  }
0xb2: {  	_ =	task.clear_ibuf [dreg:s7], $0x6FFFF;
	_ =	strace $0x90000046  }
0xb3: {  	s29 =	simm.s32 $0x9;
	_ =	strace $0x80000048  }
0xb4: {  	_ =	swait.ge [sflag:s29], $0x1  }
0xb5: {  	[sflag:s29] =	ssyncadd.s32 $0xFFFFFFFF  }
0xb6: {  	_ =	strace $0x90000048  }
0xb7: {  	_ =	sfence  }
0xb8: {  	s30 =	sld [smem:$0x0];
	_ =	sdelay $0x2  }
0xb9: {  	s31 =	sshll.u32 s1, $0xD;
	s1 =	sshrl.u32 s1, $0x2  }
0xba: {  	s3 =	sand.u32 $0x4000, s31;
	s1 =	sadd.s32 s1, s30  }
0xbb: {  	s0 =	sor.u32 s3, s0;
	s1 =	sshll.u32 s1, $0x11  }
0xbc: {  	s0 =	sor.u32 s1, s0  }
0xbd: {  	s0 =	sadd.s32 $0x8F2B, s0  }
0xbe: {  	[sflag:s0] =	ssyncadd.remote.s32 $0x1  }
0xbf: {  	_ =	sfence.sel $0xFFFF  }
0xc0: {  	[dreg:$0x0] =	wrdreg $0xFFFFFFFF;
	(pc) =	sbr.abs _section_cstart, $3  }
0xc1: {  	[dreg:$0x1] =	wrdreg $0xFFFFFFFF  }
0xc2: {  	_ =	task.clear_ibuf [dreg:s7], $0x2FFFF;
	_ =	strace $0x9FFFFFFF  }
0xc3: {  	(tm) =	ssettm $0x7FFFFFFF  }
tec
execute0_lowered:
.L_overlay_start_1:
0x0: {  	(tag) =	ssettag $0x1  }
0x1: {  	s1 =	rddreg [dreg:$0x0]  }
0x2: {  	s2 =	rddreg [dreg:$0x1]  }
0x3: {  	s3 =	rddreg [dreg:$0x2]  }
0x4: {  	s5 =	simm.s32 $0x0;
	s0 =	srdreg.scid;
	s12 =	stileid.u32  }
0x5: {  	s19 =	simm.s32 $0x2;
	s20 =	simm.s32 $0x2800;
	s22 =	simm.s32 $0x6B00  }
0x6: {  	s23 =	simm.s32 $0x5000;
	s28 =	simm.s32 $0x9300;
	s29 =	simm.s32 $0x0  }
0x7: {  	s30 =	simm.s32 $0x0;
	[smem:$0x7FF] =	sst s5;
	s0 =	sand.u32 $0x1, s0  }
0x8: {  	s6 =	sadd.s32 $0xA200, s1;
	s7 =	smul.u32 $0x1900, s12;
	s8 =	sadd.s32 $0x14C00, s1  }
0x9: {  	s24 =	sadd.s32 $0x14600, s1;
	s9 =	sadd.s32 $0x2E200, s1;
	s26 =	smul.u32 $0x32000, s12  }
0xa: {  	s10 =	sadd.s32 $0x15200, s1;
	_ =	strace $0x80000047;
	[dreg:$0x4] =	wrdreg s8  }
0xb: {  	s4 =	smul.u32 $0x19000, s0;
	[dreg:$0x5] =	wrdreg s24;
	s25 =	ssub.s32 $0x2, s0  }
0xc: {  	p0 =	seq.s32 s0, $0x1;
	s24 =	simm.s32 $0x5D80;
	s11 =	sshrl.u32 s25, $0x1  }
.Ltmp0:
0xd: {  	s31 =	sshrl.u32 s26, $0x2;
	s26 =	simm.s32 $0x1;
	(pc) =	sbr.rel .LBB2_1-.Ltmp0, $4  }
0xe: {  	s4 =	sadd.s32 s7, s4;
	s7 =	ssub.s32 s25, s11;
	s11 =	smul.u32 $0x6, s12  }
0xf: {  	s13 =	sadd.s32 s31, s3;
	s25 =	simm.s32 $0x80;
	s4 =	sadd.s32 s4, s1  }
0x10: {  	s14 =	smax.u32 s7, $0x1;
	s15 =	sadd.s32 $0x2800, s13;
	s16 =	sadd.s32 $0x5000, s13  }
0x11: {  	v0 =	vimm.f32 $0.0e+00;
	s17 =	sadd.s32 $0x7800, s13;
	s18 =	sadd.s32 $0xA000, s13;
	s12 =	sadd.s32 $0x2E400, s4  }
.LBB2_14:
0x12: {  	s0 =	stileid.u32;
	s29 =	sadd.s32 $0x1, s29  }
0x13: {  	[bflag:$0x0] =	sbarrier.arrive $0xFFFF;
	s0 =	sshll.u32 s0, $0x6;
	p1 =	sne.s32 s29, s14  }
.Ltmp1:
0x14: {  	s4 =	sshrl.u32 s13, $0x3;
	s0 =	sor.u32 $0x1C02, s0;
	(pc) =	sbr.rel @!p1 .LBB2_15-.Ltmp1, $4  }
0x15: {  	[hbm:s12], [sflag:s0] =	dma.local [spmem:s4], $0x1900  }
0x16: {  	_ =	swait.ge [sflag:s19], $0x1900  }
0x17: {  	[sflag:s19] =	ssyncset.done $0x0  }
0x18: {  	[sflag:s19] =	ssyncadd.s32 $0xFFFFE700  }
.LBB2_1:
0x19: {  	s0 =	rddreg [dreg:$0x4]  }
0x1a: {  	[tilespmem:s5], [sflag:$0x2] =	stream.linear.gather [hbm4b:s0+s5], $0x2800, $0x38;
	[tilespmem:$0x15B90] =	vst v63  }
0x1b: {  	_ =	swait.ge [sflag:s19], $0x2800  }
0x1c: {  	[sflag:s19] =	ssyncset.done $0x0  }
0x1d: {  	s21 =	rddreg [dreg:$0x5];
	[sflag:s19] =	ssyncadd.s32 $0xFFFFD800  }
0x1e: {  	[tilespmem:s20], [sflag:$0x2] =	stream.linear.gather [hbm4b:s21+s5], $0x2800, $0x38;
	[tilespmem:$0x15B90] =	vst v63  }
0x1f: {  	_ =	swait.ge [sflag:s19], $0x2800  }
0x20: {  	[sflag:s19] =	ssyncset.done $0x0  }
0x21: {  	s31 =	simm.s32 $0x9380;
	[sflag:s19] =	ssyncadd.s32 $0xFFFFD800  }
0x22: {  	[tilespmem:s31], [sflag:$0x2] =	stream.linear.gather [hbm4b:s9+s5], $0x10, $0x38;
	[tilespmem:$0x15B90] =	vst v63  }
0x23: {  	_ =	swait.ge [sflag:s19], $0x10  }
0x24: {  	[sflag:s19] =	ssyncset.done $0x0  }
0x25: {  	s4 =	simm.s32 $0x140;
	s0 =	simm.s32 $0x0;
	[sflag:s19] =	ssyncadd.s32 $0xFFFFFFF0  }
.LBB2_2:
0x26: {  	p1 =	sne.s32 s4, $0x9EC0;
	[tilespmem:s0+$0x6B40] =	vst v0;
	s7 =	smov.u32 s4;
	s4 =	sadd.s32 $0x140, s4  }
.Ltmp2:
0x27: {  	[tilespmem:s0+$0x6B30] =	vst v0;
	(pc) =	sbr.rel @p1 .LBB2_2-.Ltmp2, $4  }
0x28: {  	[tilespmem:s0+$0x6B20] =	vst v0  }
0x29: {  	[tilespmem:s0+$0x6B00] =	vst v0  }
0x2a: {  	[tilespmem:s0+$0x6B10] =	vst v0  }
0x2b: {  	s0 =	sshra.s32 s7, $0x2  }
0x2c: {  	[tilespmem:s0+$0x6B40] =	vst v0  }
0x2d: {  	[tilespmem:s0+$0x6B30] =	vst v0  }
0x2e: {  	[tilespmem:s0+$0x6B20] =	vst v0  }
0x2f: {  	[tilespmem:s0+$0x6B00] =	vst v0  }
0x30: {  	[tilespmem:s0+$0x6B10] =	vst v0  }
0x31: {  	[spmem:s13] =	stream.linear.scatter [tilespmem:s22], [sflag:$0x2], $0x2800, $0x38;
	[tilespmem:$0x15B90] =	vst v63  }
0x32: {  	_ =	swait.ge [sflag:s19], $0x2800  }
0x33: {  	[sflag:s19] =	ssyncset.done $0x0  }
0x34: {  	[sflag:s19] =	ssyncadd.s32 $0xFFFFD800  }
0x35: {  	[spmem:s15] =	stream.linear.scatter [tilespmem:s22], [sflag:$0x2], $0x2800, $0x38;
	[tilespmem:$0x15B90] =	vst v63  }
0x36: {  	_ =	swait.ge [sflag:s19], $0x2800  }
0x37: {  	[sflag:s19] =	ssyncset.done $0x0  }
0x38: {  	[sflag:s19] =	ssyncadd.s32 $0xFFFFD800  }
0x39: {  	[spmem:s16] =	stream.linear.scatter [tilespmem:s22], [sflag:$0x2], $0x2800, $0x38;
	[tilespmem:$0x15B90] =	vst v63  }
0x3a: {  	_ =	swait.ge [sflag:s19], $0x2800  }
0x3b: {  	[sflag:s19] =	ssyncset.done $0x0  }
0x3c: {  	[sflag:s19] =	ssyncadd.s32 $0xFFFFD800  }
0x3d: {  	[spmem:s17] =	stream.linear.scatter [tilespmem:s22], [sflag:$0x2], $0x2800, $0x38;
	[tilespmem:$0x15B90] =	vst v63  }
0x3e: {  	_ =	swait.ge [sflag:s19], $0x2800  }
0x3f: {  	[sflag:s19] =	ssyncset.done $0x0  }
0x40: {  	[sflag:s19] =	ssyncadd.s32 $0xFFFFD800  }
0x41: {  	[spmem:s18] =	stream.linear.scatter [tilespmem:s22], [sflag:$0x2], $0x2800, $0x38;
	[tilespmem:$0x15B90] =	vst v63  }
.Ltmp3:
0x42: {  	_ =	swait.ge [sflag:s19], $0x2800;
	(pc) =	sbr.rel @!p0 .LBB2_4-.Ltmp3, $4  }
0x43: {  	[sflag:s19] =	ssyncset.done $0x0  }
0x44: {  	[sflag:s19] =	ssyncadd.s32 $0xFFFFD800  }
0x45: {  	[bflag:$0x0] =	sbarrier.arrive $0xFFFF  }
0x46: {  	s31 =	simm.s32 $0x0;
	s0 =	simm.s32 $0x0;
	v1 =	vld [tilespmem:$0x9380]  }
.LBB2_9:
0x47: {  	s4 =	sadd.s32 s11, s0  }
0x48: {  	s4 =	smul.u32 $0x1B0, s4;
	_ =	sdelay $0x1  }
0x49: {  	s7 =	sadd.s32 s6, s4  }
0x4a: {  	[tilespmem:s23], [sflag:$0x2] =	stream.linear.gather [hbm4b:s7+s30], $0xD80, $0x38;
	[tilespmem:$0x15B90] =	vst v63  }
0x4b: {  	_ =	swait.ge [sflag:s19], $0xD80  }
0x4c: {  	[sflag:s19] =	ssyncset.done $0x0  }
0x4d: {  	s4 =	sadd.s32 s1, s4;
	[sflag:s19] =	ssyncadd.s32 $0xFFFFF280  }
0x4e: {  	[tilespmem:s24], [sflag:$0x2] =	stream.linear.gather [hbm4b:s4+s30], $0xD80, $0x38;
	[tilespmem:$0x15B90] =	vst v63  }
0x4f: {  	_ =	swait.ge [sflag:s19], $0xD80  }
0x50: {  	[sflag:s19] =	ssyncset.done $0x0  }
0x51: {  	s31 =	simm.s32 $0x0;
	[sflag:s19] =	ssyncadd.s32 $0xFFFFF280  }
.LBB2_10:
0x52: {  	s21 =	sshll.u32 s31, $0x7  }
0x53: {  	s4 =	sadd.s32 $0x5000, s21  }
0x54: {  	[tilespmem:s22], [sflag:$0x1] =	stream.indirect.gather [hbm4b:s10+s25], $0x50, s4, s25, $0xb8;
	[tilespmem:$0x15B90] =	vst v63  }
0x55: {  	_ =	swait.ge [sflag:s26], $0x2800  }
0x56: {  	[sflag:s26] =	ssyncset.done $0x0  }
0x57: {  	[sflag:s26] =	ssyncadd.s32 $0xFFFFD800  }
0x58: {  	v2 =	vld [tilespmem:s21+$0x5000]  }
0x59: {  	v3 =	vld [tilespmem:s21+$0x5D80];
	_ =	sdelay $0x5  }
0x5a: {  	s8 =	simm.s32 $0x0  }
0x5b: {  	v2 =	vld.idx.msk [tilespmem:v2+s8+$0x0], $0xffff  }
0x5c: {  	v3 =	vld.idx.msk [tilespmem:v3+s20+$0x0], $0xffff;
	_ =	sdelay $0x4  }
0x5d: {  	v2 =	vadd.f32 v3, v2;
	_ =	sdelay $0x1  }
0x5e: {  	v3 =	vmul.f32 $2.000000030e-01, v2  }
0x5f: {  	vm0 =	vgt.f32 v2, $0.0e+00  }
0x60: {  	v2 =	vsel vm0, v2, v3  }
0x61: {  	v2 =	vsub.f32 v2, v1;
	_ =	sdelay $0x1  }
0x62: {  	v2 =	vmul.f32 $1.442695020e+00, v2;
	_ =	sdelay $0x1  }
0x63: {  	(erf) = vpow2.f32 v2;
	_ =	sdelay $0x8  }
0x64: {  	v2 =	vpop (erf)  }
0x65: {  	[tilespmem:$0x9300] =	vst v2  }
0x66: {  	v2 =	vld [tilespmem:s21+$0x5010]  }
0x67: {  	v3 =	vld [tilespmem:s21+$0x5D90];
	_ =	sdelay $0x6  }
0x68: {  	v2 =	vld.idx.msk [tilespmem:v2+s8+$0x0], $0xffff  }
0x69: {  	v3 =	vld.idx.msk [tilespmem:v3+s20+$0x0], $0xffff;
	_ =	sdelay $0x4  }
0x6a: {  	v2 =	vadd.f32 v3, v2;
	_ =	sdelay $0x1  }
0x6b: {  	v3 =	vmul.f32 $2.000000030e-01, v2  }
0x6c: {  	vm9 =	vgt.f32 v2, $0.0e+00  }
0x6d: {  	v2 =	vsel vm9, v2, v3  }
0x6e: {  	v2 =	vsub.f32 v2, v1;
	_ =	sdelay $0x1  }
0x6f: {  	v2 =	vmul.f32 $1.442695020e+00, v2;
	_ =	sdelay $0x1  }
0x70: {  	(erf) = vpow2.f32 v2;
	_ =	sdelay $0x8  }
0x71: {  	v2 =	vpop (erf)  }
0x72: {  	[tilespmem:$0x9310] =	vst v2  }
0x73: {  	v2 =	vld [tilespmem:s21+$0x5020]  }
0x74: {  	v3 =	vld [tilespmem:s21+$0x5DA0];
	_ =	sdelay $0x6  }
0x75: {  	v2 =	vld.idx.msk [tilespmem:v2+s8+$0x0], $0xffff  }
0x76: {  	v3 =	vld.idx.msk [tilespmem:v3+s20+$0x0], $0xffff;
	_ =	sdelay $0x4  }
0x77: {  	v2 =	vadd.f32 v3, v2;
	_ =	sdelay $0x1  }
0x78: {  	v3 =	vmul.f32 $2.000000030e-01, v2  }
0x79: {  	vm10 =	vgt.f32 v2, $0.0e+00  }
0x7a: {  	v2 =	vsel vm10, v2, v3  }
0x7b: {  	v2 =	vsub.f32 v2, v1;
	_ =	sdelay $0x1  }
0x7c: {  	v2 =	vmul.f32 $1.442695020e+00, v2;
	_ =	sdelay $0x1  }
0x7d: {  	(erf) = vpow2.f32 v2;
	_ =	sdelay $0x8  }
0x7e: {  	v2 =	vpop (erf)  }
0x7f: {  	[tilespmem:$0x9320] =	vst v2  }
0x80: {  	v2 =	vld [tilespmem:s21+$0x5030]  }
0x81: {  	v3 =	vld [tilespmem:s21+$0x5DB0];
	_ =	sdelay $0x6  }
0x82: {  	v2 =	vld.idx.msk [tilespmem:v2+s8+$0x0], $0xffff  }
0x83: {  	v3 =	vld.idx.msk [tilespmem:v3+s20+$0x0], $0xffff;
	_ =	sdelay $0x4  }
0x84: {  	v2 =	vadd.f32 v3, v2;
	_ =	sdelay $0x1  }
0x85: {  	v3 =	vmul.f32 $2.000000030e-01, v2  }
0x86: {  	vm11 =	vgt.f32 v2, $0.0e+00  }
0x87: {  	v2 =	vsel vm11, v2, v3  }
0x88: {  	v2 =	vsub.f32 v2, v1;
	_ =	sdelay $0x1  }
0x89: {  	v2 =	vmul.f32 $1.442695020e+00, v2;
	_ =	sdelay $0x1  }
0x8a: {  	(erf) = vpow2.f32 v2;
	_ =	sdelay $0x8  }
0x8b: {  	v2 =	vpop (erf)  }
0x8c: {  	[tilespmem:$0x9330] =	vst v2  }
0x8d: {  	v2 =	vld [tilespmem:s21+$0x5040]  }
0x8e: {  	v3 =	vld [tilespmem:s21+$0x5DC0];
	_ =	sdelay $0x6  }
0x8f: {  	v2 =	vld.idx.msk [tilespmem:v2+s8+$0x0], $0xffff  }
0x90: {  	v3 =	vld.idx.msk [tilespmem:v3+s20+$0x0], $0xffff;
	_ =	sdelay $0x4  }
0x91: {  	v2 =	vadd.f32 v3, v2;
	_ =	sdelay $0x1  }
0x92: {  	v3 =	vmul.f32 $2.000000030e-01, v2  }
0x93: {  	vm12 =	vgt.f32 v2, $0.0e+00  }
0x94: {  	v2 =	vsel vm12, v2, v3  }
0x95: {  	v2 =	vsub.f32 v2, v1;
	_ =	sdelay $0x1  }
0x96: {  	v2 =	vmul.f32 $1.442695020e+00, v2;
	_ =	sdelay $0x1  }
0x97: {  	(erf) = vpow2.f32 v2;
	_ =	sdelay $0x8  }
0x98: {  	v2 =	vpop (erf)  }
0x99: {  	[tilespmem:$0x9340] =	vst v2  }
0x9a: {  	v2 =	vld [tilespmem:s21+$0x5050]  }
0x9b: {  	v3 =	vld [tilespmem:s21+$0x5DD0];
	_ =	sdelay $0x6  }
0x9c: {  	v2 =	vld.idx.msk [tilespmem:v2+s8+$0x0], $0xffff  }
0x9d: {  	v3 =	vld.idx.msk [tilespmem:v3+s20+$0x0], $0xffff;
	_ =	sdelay $0x4  }
0x9e: {  	v2 =	vadd.f32 v3, v2;
	_ =	sdelay $0x1  }
0x9f: {  	v3 =	vmul.f32 $2.000000030e-01, v2  }
0xa0: {  	vm13 =	vgt.f32 v2, $0.0e+00  }
0xa1: {  	v2 =	vsel vm13, v2, v3  }
0xa2: {  	v2 =	vsub.f32 v2, v1;
	_ =	sdelay $0x1  }
0xa3: {  	v2 =	vmul.f32 $1.442695020e+00, v2;
	_ =	sdelay $0x1  }
0xa4: {  	(erf) = vpow2.f32 v2;
	_ =	sdelay $0x8  }
0xa5: {  	v2 =	vpop (erf)  }
0xa6: {  	[tilespmem:$0x9350] =	vst v2  }
0xa7: {  	v2 =	vld [tilespmem:s21+$0x5060]  }
0xa8: {  	v3 =	vld [tilespmem:s21+$0x5DE0];
	_ =	sdelay $0x6  }
0xa9: {  	v2 =	vld.idx.msk [tilespmem:v2+s8+$0x0], $0xffff  }
0xaa: {  	v3 =	vld.idx.msk [tilespmem:v3+s20+$0x0], $0xffff;
	_ =	sdelay $0x4  }
0xab: {  	v2 =	vadd.f32 v3, v2;
	_ =	sdelay $0x1  }
0xac: {  	v3 =	vmul.f32 $2.000000030e-01, v2  }
0xad: {  	vm14 =	vgt.f32 v2, $0.0e+00  }
0xae: {  	v2 =	vsel vm14, v2, v3  }
0xaf: {  	v2 =	vsub.f32 v2, v1;
	_ =	sdelay $0x1  }
0xb0: {  	v2 =	vmul.f32 $1.442695020e+00, v2;
	_ =	sdelay $0x1  }
0xb1: {  	(erf) = vpow2.f32 v2;
	_ =	sdelay $0x8  }
0xb2: {  	v2 =	vpop (erf)  }
0xb3: {  	[tilespmem:$0x9360] =	vst v2  }
0xb4: {  	v2 =	vld [tilespmem:s21+$0x5070]  }
0xb5: {  	v3 =	vld [tilespmem:s21+$0x5DF0];
	_ =	sdelay $0x6  }
0xb6: {  	v2 =	vld.idx.msk [tilespmem:v2+s8+$0x0], $0xffff  }
0xb7: {  	v3 =	vld.idx.msk [tilespmem:v3+s20+$0x0], $0xffff;
	_ =	sdelay $0x4  }
0xb8: {  	v2 =	vadd.f32 v3, v2;
	_ =	sdelay $0x1  }
0xb9: {  	v3 =	vmul.f32 $2.000000030e-01, v2  }
0xba: {  	vm15 =	vgt.f32 v2, $0.0e+00  }
0xbb: {  	v2 =	vsel vm15, v2, v3  }
0xbc: {  	v2 =	vsub.f32 v2, v1;
	_ =	sdelay $0x1  }
0xbd: {  	v2 =	vmul.f32 $1.442695020e+00, v2;
	_ =	sdelay $0x1  }
0xbe: {  	(erf) = vpow2.f32 v2;
	_ =	sdelay $0x7  }
0xbf: {  	v2 =	vmov s8  }
0xc0: {  	v3 =	vpop (erf)  }
0xc1: {  	s7 =	simm.s32 $0x6B20;
	[tilespmem:$0x9370] =	vst v3  }
0xc2: {  	v3 =	vld [tilespmem:s7+$0xFFFFFFF0]  }
0xc3: {  	v6 =	vld [tilespmem:s7+$0x10]  }
0xc4: {  	v7 =	vld.idx.msk [tilespmem:v2+s28+$0x0], $0xffff  }
0xc5: {  	v2 =	vld [tilespmem:s7+$0xFFFFFFE0]  }
0xc6: {  	v5 =	vld [tilespmem:s7+$0x0]  }
0xc7: {  	v8 =	vld [tilespmem:s7+$0x20];
	_ =	sdelay $0x2  }
0xc8: {  	v9 =	vmul.f32 v2, v7  }
0xc9: {  	s8 =	simm.s32 $0x1;
	v4 =	vmul.f32 v3, v7;
	v5 =	vmul.f32 v5, v7  }
0xca: {  	s4 =	sadd.s32 $0x5D80, s21;
	s21 =	simm.s32 $0x6B20;
	v3 =	vmul.f32 v6, v7;
	v2 =	vmov s8;
	s8 =	simm.s32 $0x2;
	v6 =	vmul.f32 v8, v7;
	[tilespmem:s7+$0xFFFFFFE0] =	vst v9  }
.LBB2_11:
0xcb: {  	p1 =	sne.s32 s8, $0x7F;
	[tilespmem:s7+$0xFFFFFFF0] =	vst v4  }
0xcc: {  	s7 =	sadd.s32 $0x50, s7;
	[tilespmem:s21+$0x0] =	vst v5  }
0xcd: {  	v4 =	vld [tilespmem:s7+$0xFFFFFFF0];
	[tilespmem:s21+$0x10] =	vst v3  }
0xce: {  	v3 =	vld [tilespmem:s7+$0x10];
	[tilespmem:s21+$0x20] =	vst v6;
	s21 =	smov.u32 s7  }
0xcf: {  	v6 =	vld.idx.msk [tilespmem:v2+s28+$0x0], $0xffff  }
0xd0: {  	v2 =	vld [tilespmem:s7+$0xFFFFFFE0]  }
0xd1: {  	v5 =	vld [tilespmem:s7+$0x0]  }
0xd2: {  	v7 =	vld [tilespmem:s7+$0x20]  }
.Ltmp4:
0xd3: {  	(pc) =	sbr.rel @p1 .LBB2_11-.Ltmp4, $4  }
0xd4: {  	_ = 	snop  }
0xd5: {  	v4 =	vmul.f32 v4, v6;
	v8 =	vmul.f32 v2, v6  }
0xd6: {  	v3 =	vmul.f32 v3, v6;
	v5 =	vmul.f32 v5, v6  }
0xd7: {  	v2 =	vmov s8;
	s8 =	sadd.s32 $0x1, s8;
	[tilespmem:s7+$0xFFFFFFE0] =	vst v8;
	v6 =	vmul.f32 v7, v6  }
0xd8: {  	[tilespmem:s7+$0xFFFFFFF0] =	vst v4  }
0xd9: {  	s8 =	sadd.s32 $0x50, s7;
	[tilespmem:s21+$0x0] =	vst v5  }
0xda: {  	v4 =	vld [tilespmem:s8+$0xFFFFFFF0];
	[tilespmem:s21+$0x10] =	vst v3  }
0xdb: {  	v3 =	vld [tilespmem:s8+$0x10]  }
0xdc: {  	[tilespmem:s21+$0x20] =	vst v6;
	v5 =	vld [tilespmem:s8+$0xFFFFFFE0]  }
0xdd: {  	v2 =	vld.idx.msk [tilespmem:v2+s28+$0x0], $0xffff;
	_ =	sdelay $0x1  }
0xde: {  	v6 =	vld [tilespmem:s8+$0x0];
	_ =	sdelay $0x1  }
0xdf: {  	v7 =	vld [tilespmem:s8+$0x20]  }
0xe0: {  	v5 =	vmul.f32 v5, v2  }
0xe1: {  	v4 =	vmul.f32 v4, v2  }
0xe2: {  	v6 =	vmul.f32 v6, v2;
	[tilespmem:s8+$0xFFFFFFE0] =	vst v5  }
0xe3: {  	v3 =	vmul.f32 v3, v2;
	[tilespmem:s8+$0xFFFFFFF0] =	vst v4  }
0xe4: {  	s31 =	sadd.s32 $0x1, s31;
	v2 =	vmul.f32 v7, v2;
	[tilespmem:s8+$0x0] =	vst v6  }
0xe5: {  	p1 =	sne.s32 s31, $0x1B;
	[tilespmem:s8+$0x10] =	vst v3  }
.Ltmp5:
0xe6: {  	[tilespmem:s8+$0x20] =	vst v2;
	(pc) =	sbr.rel @p1 .LBB2_10-.Ltmp5, $4  }
0xe7: {  	[spmem:s3] =	stream.indirect.scatter.add.f32 [tilespmem:s22], [sflag:$0x2], $0x50, s4, s25, $0xb8;
	[tilespmem:$0x15B90] =	vst v63  }
0xe8: {  	_ =	swait.ge [sflag:s19], $0x2800  }
0xe9: {  	[sflag:s19] =	ssyncset.done $0x0  }
0xea: {  	[sflag:s19] =	ssyncadd.s32 $0xFFFFD800  }
0xeb: {  	s0 =	sadd.s32 $0x1, s0  }
0xec: {  	p1 =	sne.s32 s0, $0x6  }
.Ltmp6:
0xed: {  	_ = 	snop;
	(pc) =	sbr.rel @p1 .LBB2_9-.Ltmp6, $4  }
.Ltmp7:
0xee: {  	_ = 	snop;
	(pc) =	sbr.rel @!p1 .LBB2_14-.Ltmp7, $4  }
0xef: {  	_ = 	snop  }
0xf0: {  	_ = 	snop  }
0xf1: {  	_ = 	snop  }
0xf2: {  	_ = 	snop  }
.LBB2_4:
0xf3: {  	s0 =	sadd.s32 s11, s31  }
0xf4: {  	s0 =	smul.u32 $0x1B0, s0;
	_ =	sdelay $0x1  }
0xf5: {  	s4 =	sadd.s32 s6, s0  }
0xf6: {  	[tilespmem:s23], [sflag:$0x2] =	stream.linear.gather [hbm4b:s4+s30], $0xD80, $0x38;
	[tilespmem:$0x15B90] =	vst v63  }
0xf7: {  	_ =	swait.ge [sflag:s19], $0xD80  }
0xf8: {  	[sflag:s19] =	ssyncset.done $0x0  }
0xf9: {  	s0 =	sadd.s32 s1, s0;
	[sflag:s19] =	ssyncadd.s32 $0xFFFFF280  }
0xfa: {  	[tilespmem:s24], [sflag:$0x2] =	stream.linear.gather [hbm4b:s0+s30], $0xD80, $0x38;
	[tilespmem:$0x15B90] =	vst v63  }
0xfb: {  	_ =	swait.ge [sflag:s19], $0xD80  }
0xfc: {  	[sflag:s19] =	ssyncset.done $0x0  }
0xfd: {  	s0 =	simm.s32 $0x0;
	[sflag:s19] =	ssyncadd.s32 $0xFFFFF280  }
.LBB2_5:
0xfe: {  	s21 =	sshll.u32 s0, $0x7  }
0xff: {  	s4 =	sadd.s32 $0x5000, s21  }
0x100: {  	[tilespmem:s22], [sflag:$0x1] =	stream.indirect.gather [hbm4b:s2+s25], $0x50, s4, s25, $0xb8;
	[tilespmem:$0x15B90] =	vst v63  }
0x101: {  	_ =	swait.ge [sflag:s26], $0x2800  }
0x102: {  	[sflag:s26] =	ssyncset.done $0x0  }
0x103: {  	[sflag:s26] =	ssyncadd.s32 $0xFFFFD800  }
0x104: {  	v2 =	vld [tilespmem:s21+$0x5000]  }
0x105: {  	v3 =	vld [tilespmem:s21+$0x5D80];
	_ =	sdelay $0x5  }
0x106: {  	s8 =	simm.s32 $0x0  }
0x107: {  	v2 =	vld.idx.msk [tilespmem:v2+s8+$0x0], $0xffff  }
0x108: {  	v3 =	vld.idx.msk [tilespmem:v3+s20+$0x0], $0xffff;
	_ =	sdelay $0x4  }
0x109: {  	v2 =	vadd.f32 v3, v2;
	_ =	sdelay $0x1  }
0x10a: {  	v3 =	vmul.f32 $2.000000030e-01, v2  }
0x10b: {  	vm0 =	vgt.f32 v2, $0.0e+00  }
0x10c: {  	v2 =	vsel vm0, v2, v3  }
0x10d: {  	v2 =	vsub.f32 v2, v1;
	_ =	sdelay $0x1  }
0x10e: {  	v2 =	vmul.f32 $1.442695020e+00, v2;
	_ =	sdelay $0x1  }
0x10f: {  	(erf) = vpow2.f32 v2;
	_ =	sdelay $0x8  }
0x110: {  	v2 =	vpop (erf)  }
0x111: {  	[tilespmem:$0x9300] =	vst v2  }
0x112: {  	v2 =	vld [tilespmem:s21+$0x5010]  }
0x113: {  	v3 =	vld [tilespmem:s21+$0x5D90];
	_ =	sdelay $0x6  }
0x114: {  	v2 =	vld.idx.msk [tilespmem:v2+s8+$0x0], $0xffff  }
0x115: {  	v3 =	vld.idx.msk [tilespmem:v3+s20+$0x0], $0xffff;
	_ =	sdelay $0x4  }
0x116: {  	v2 =	vadd.f32 v3, v2;
	_ =	sdelay $0x1  }
0x117: {  	v3 =	vmul.f32 $2.000000030e-01, v2  }
0x118: {  	vm9 =	vgt.f32 v2, $0.0e+00  }
0x119: {  	v2 =	vsel vm9, v2, v3  }
0x11a: {  	v2 =	vsub.f32 v2, v1;
	_ =	sdelay $0x1  }
0x11b: {  	v2 =	vmul.f32 $1.442695020e+00, v2;
	_ =	sdelay $0x1  }
0x11c: {  	(erf) = vpow2.f32 v2;
	_ =	sdelay $0x8  }
0x11d: {  	v2 =	vpop (erf)  }
0x11e: {  	[tilespmem:$0x9310] =	vst v2  }
0x11f: {  	v2 =	vld [tilespmem:s21+$0x5020]  }
0x120: {  	v3 =	vld [tilespmem:s21+$0x5DA0];
	_ =	sdelay $0x6  }
0x121: {  	v2 =	vld.idx.msk [tilespmem:v2+s8+$0x0], $0xffff  }
0x122: {  	v3 =	vld.idx.msk [tilespmem:v3+s20+$0x0], $0xffff;
	_ =	sdelay $0x4  }
0x123: {  	v2 =	vadd.f32 v3, v2;
	_ =	sdelay $0x1  }
0x124: {  	v3 =	vmul.f32 $2.000000030e-01, v2  }
0x125: {  	vm10 =	vgt.f32 v2, $0.0e+00  }
0x126: {  	v2 =	vsel vm10, v2, v3  }
0x127: {  	v2 =	vsub.f32 v2, v1;
	_ =	sdelay $0x1  }
0x128: {  	v2 =	vmul.f32 $1.442695020e+00, v2;
	_ =	sdelay $0x1  }
0x129: {  	(erf) = vpow2.f32 v2;
	_ =	sdelay $0x8  }
0x12a: {  	v2 =	vpop (erf)  }
0x12b: {  	[tilespmem:$0x9320] =	vst v2  }
0x12c: {  	v2 =	vld [tilespmem:s21+$0x5030]  }
0x12d: {  	v3 =	vld [tilespmem:s21+$0x5DB0];
	_ =	sdelay $0x6  }
0x12e: {  	v2 =	vld.idx.msk [tilespmem:v2+s8+$0x0], $0xffff  }
0x12f: {  	v3 =	vld.idx.msk [tilespmem:v3+s20+$0x0], $0xffff;
	_ =	sdelay $0x4  }
0x130: {  	v2 =	vadd.f32 v3, v2;
	_ =	sdelay $0x1  }
0x131: {  	v3 =	vmul.f32 $2.000000030e-01, v2  }
0x132: {  	vm11 =	vgt.f32 v2, $0.0e+00  }
0x133: {  	v2 =	vsel vm11, v2, v3  }
0x134: {  	v2 =	vsub.f32 v2, v1;
	_ =	sdelay $0x1  }
0x135: {  	v2 =	vmul.f32 $1.442695020e+00, v2;
	_ =	sdelay $0x1  }
0x136: {  	(erf) = vpow2.f32 v2;
	_ =	sdelay $0x8  }
0x137: {  	v2 =	vpop (erf)  }
0x138: {  	[tilespmem:$0x9330] =	vst v2  }
0x139: {  	v2 =	vld [tilespmem:s21+$0x5040]  }
0x13a: {  	v3 =	vld [tilespmem:s21+$0x5DC0];
	_ =	sdelay $0x6  }
0x13b: {  	v2 =	vld.idx.msk [tilespmem:v2+s8+$0x0], $0xffff  }
0x13c: {  	v3 =	vld.idx.msk [tilespmem:v3+s20+$0x0], $0xffff;
	_ =	sdelay $0x4  }
0x13d: {  	v2 =	vadd.f32 v3, v2;
	_ =	sdelay $0x1  }
0x13e: {  	v3 =	vmul.f32 $2.000000030e-01, v2  }
0x13f: {  	vm12 =	vgt.f32 v2, $0.0e+00  }
0x140: {  	v2 =	vsel vm12, v2, v3  }
0x141: {  	v2 =	vsub.f32 v2, v1;
	_ =	sdelay $0x1  }
0x142: {  	v2 =	vmul.f32 $1.442695020e+00, v2;
	_ =	sdelay $0x1  }
0x143: {  	(erf) = vpow2.f32 v2;
	_ =	sdelay $0x8  }
0x144: {  	v2 =	vpop (erf)  }
0x145: {  	[tilespmem:$0x9340] =	vst v2  }
0x146: {  	v2 =	vld [tilespmem:s21+$0x5050]  }
0x147: {  	v3 =	vld [tilespmem:s21+$0x5DD0];
	_ =	sdelay $0x6  }
0x148: {  	v2 =	vld.idx.msk [tilespmem:v2+s8+$0x0], $0xffff  }
0x149: {  	v3 =	vld.idx.msk [tilespmem:v3+s20+$0x0], $0xffff;
	_ =	sdelay $0x4  }
0x14a: {  	v2 =	vadd.f32 v3, v2;
	_ =	sdelay $0x1  }
0x14b: {  	v3 =	vmul.f32 $2.000000030e-01, v2  }
0x14c: {  	vm13 =	vgt.f32 v2, $0.0e+00  }
0x14d: {  	v2 =	vsel vm13, v2, v3  }
0x14e: {  	v2 =	vsub.f32 v2, v1;
	_ =	sdelay $0x1  }
0x14f: {  	v2 =	vmul.f32 $1.442695020e+00, v2;
	_ =	sdelay $0x1  }
0x150: {  	(erf) = vpow2.f32 v2;
	_ =	sdelay $0x8  }
0x151: {  	v2 =	vpop (erf)  }
0x152: {  	[tilespmem:$0x9350] =	vst v2  }
0x153: {  	v2 =	vld [tilespmem:s21+$0x5060]  }
0x154: {  	v3 =	vld [tilespmem:s21+$0x5DE0];
	_ =	sdelay $0x6  }
0x155: {  	v2 =	vld.idx.msk [tilespmem:v2+s8+$0x0], $0xffff  }
0x156: {  	v3 =	vld.idx.msk [tilespmem:v3+s20+$0x0], $0xffff;
	_ =	sdelay $0x4  }
0x157: {  	v2 =	vadd.f32 v3, v2;
	_ =	sdelay $0x1  }
0x158: {  	v3 =	vmul.f32 $2.000000030e-01, v2  }
0x159: {  	vm14 =	vgt.f32 v2, $0.0e+00  }
0x15a: {  	v2 =	vsel vm14, v2, v3  }
0x15b: {  	v2 =	vsub.f32 v2, v1;
	_ =	sdelay $0x1  }
0x15c: {  	v2 =	vmul.f32 $1.442695020e+00, v2;
	_ =	sdelay $0x1  }
0x15d: {  	(erf) = vpow2.f32 v2;
	_ =	sdelay $0x8  }
0x15e: {  	v2 =	vpop (erf)  }
0x15f: {  	[tilespmem:$0x9360] =	vst v2  }
0x160: {  	v2 =	vld [tilespmem:s21+$0x5070]  }
0x161: {  	v3 =	vld [tilespmem:s21+$0x5DF0];
	_ =	sdelay $0x6  }
0x162: {  	v2 =	vld.idx.msk [tilespmem:v2+s8+$0x0], $0xffff  }
0x163: {  	v3 =	vld.idx.msk [tilespmem:v3+s20+$0x0], $0xffff;
	_ =	sdelay $0x4  }
0x164: {  	v2 =	vadd.f32 v3, v2;
	_ =	sdelay $0x1  }
0x165: {  	v3 =	vmul.f32 $2.000000030e-01, v2  }
0x166: {  	vm15 =	vgt.f32 v2, $0.0e+00  }
0x167: {  	v2 =	vsel vm15, v2, v3  }
0x168: {  	v2 =	vsub.f32 v2, v1;
	_ =	sdelay $0x1  }
0x169: {  	v2 =	vmul.f32 $1.442695020e+00, v2;
	_ =	sdelay $0x1  }
0x16a: {  	(erf) = vpow2.f32 v2;
	_ =	sdelay $0x7  }
0x16b: {  	v2 =	vmov s8  }
0x16c: {  	v3 =	vpop (erf)  }
0x16d: {  	s7 =	simm.s32 $0x6B20;
	[tilespmem:$0x9370] =	vst v3  }
0x16e: {  	v3 =	vld [tilespmem:s7+$0xFFFFFFF0]  }
0x16f: {  	v6 =	vld [tilespmem:s7+$0x10]  }
0x170: {  	v7 =	vld.idx.msk [tilespmem:v2+s28+$0x0], $0xffff  }
0x171: {  	v2 =	vld [tilespmem:s7+$0xFFFFFFE0]  }
0x172: {  	v5 =	vld [tilespmem:s7+$0x0]  }
0x173: {  	v8 =	vld [tilespmem:s7+$0x20];
	_ =	sdelay $0x2  }
0x174: {  	v9 =	vmul.f32 v2, v7  }
0x175: {  	s8 =	simm.s32 $0x1;
	v4 =	vmul.f32 v3, v7;
	v5 =	vmul.f32 v5, v7  }
0x176: {  	s4 =	sadd.s32 $0x5D80, s21;
	s21 =	simm.s32 $0x6B20;
	v3 =	vmul.f32 v6, v7;
	v2 =	vmov s8;
	s8 =	simm.s32 $0x2;
	v6 =	vmul.f32 v8, v7;
	[tilespmem:s7+$0xFFFFFFE0] =	vst v9  }
.LBB2_6:
0x177: {  	p1 =	sne.s32 s8, $0x7F;
	[tilespmem:s7+$0xFFFFFFF0] =	vst v4  }
0x178: {  	s7 =	sadd.s32 $0x50, s7;
	[tilespmem:s21+$0x0] =	vst v5  }
0x179: {  	v4 =	vld [tilespmem:s7+$0xFFFFFFF0];
	[tilespmem:s21+$0x10] =	vst v3  }
0x17a: {  	v3 =	vld [tilespmem:s7+$0x10];
	[tilespmem:s21+$0x20] =	vst v6;
	s21 =	smov.u32 s7  }
0x17b: {  	v6 =	vld.idx.msk [tilespmem:v2+s28+$0x0], $0xffff  }
0x17c: {  	v2 =	vld [tilespmem:s7+$0xFFFFFFE0]  }
0x17d: {  	v5 =	vld [tilespmem:s7+$0x0]  }
0x17e: {  	v7 =	vld [tilespmem:s7+$0x20]  }
.Ltmp8:
0x17f: {  	(pc) =	sbr.rel @p1 .LBB2_6-.Ltmp8, $4  }
0x180: {  	_ = 	snop  }
0x181: {  	v4 =	vmul.f32 v4, v6;
	v8 =	vmul.f32 v2, v6  }
0x182: {  	v3 =	vmul.f32 v3, v6;
	v5 =	vmul.f32 v5, v6  }
0x183: {  	v2 =	vmov s8;
	s8 =	sadd.s32 $0x1, s8;
	[tilespmem:s7+$0xFFFFFFE0] =	vst v8;
	v6 =	vmul.f32 v7, v6  }
0x184: {  	[tilespmem:s7+$0xFFFFFFF0] =	vst v4  }
0x185: {  	s8 =	sadd.s32 $0x50, s7;
	[tilespmem:s21+$0x0] =	vst v5  }
0x186: {  	v4 =	vld [tilespmem:s8+$0xFFFFFFF0];
	[tilespmem:s21+$0x10] =	vst v3  }
0x187: {  	v3 =	vld [tilespmem:s8+$0x10]  }
0x188: {  	[tilespmem:s21+$0x20] =	vst v6;
	v5 =	vld [tilespmem:s8+$0xFFFFFFE0]  }
0x189: {  	v2 =	vld.idx.msk [tilespmem:v2+s28+$0x0], $0xffff;
	_ =	sdelay $0x1  }
0x18a: {  	v6 =	vld [tilespmem:s8+$0x0];
	_ =	sdelay $0x1  }
0x18b: {  	v7 =	vld [tilespmem:s8+$0x20]  }
0x18c: {  	v5 =	vmul.f32 v5, v2  }
0x18d: {  	v4 =	vmul.f32 v4, v2  }
0x18e: {  	v6 =	vmul.f32 v6, v2;
	[tilespmem:s8+$0xFFFFFFE0] =	vst v5  }
0x18f: {  	v3 =	vmul.f32 v3, v2;
	[tilespmem:s8+$0xFFFFFFF0] =	vst v4  }
0x190: {  	s0 =	sadd.s32 $0x1, s0;
	v2 =	vmul.f32 v7, v2;
	[tilespmem:s8+$0x0] =	vst v6  }
0x191: {  	p1 =	sne.s32 s0, $0x1B;
	[tilespmem:s8+$0x10] =	vst v3  }
.Ltmp9:
0x192: {  	[tilespmem:s8+$0x20] =	vst v2;
	(pc) =	sbr.rel @p1 .LBB2_5-.Ltmp9, $4  }
0x193: {  	[spmem:s3] =	stream.indirect.scatter.add.f32 [tilespmem:s22], [sflag:$0x2], $0x50, s4, s25, $0xb8;
	[tilespmem:$0x15B90] =	vst v63  }
0x194: {  	_ =	swait.ge [sflag:s19], $0x2800  }
0x195: {  	[sflag:s19] =	ssyncset.done $0x0  }
0x196: {  	[sflag:s19] =	ssyncadd.s32 $0xFFFFD800  }
0x197: {  	s31 =	sadd.s32 $0x1, s31  }
0x198: {  	p1 =	seq.s32 s31, $0x6  }
.Ltmp10:
0x199: {  	_ = 	snop;
	(pc) =	sbr.rel @!p1 .LBB2_4-.Ltmp10, $4  }
.Ltmp11:
0x19a: {  	_ = 	snop;
	(pc) =	sbr.rel @p1 .LBB2_14-.Ltmp11, $4  }
0x19b: {  	_ = 	snop  }
0x19c: {  	_ = 	snop  }
0x19d: {  	_ = 	snop  }
0x19e: {  	_ = 	snop  }
.LBB2_15:
0x19f: {  	_ =	sfence.sel $0x180000  }
0x1a0: {  	[bflag:$0x0] =	sbarrier.arrive $0xFFFF  }
0x1a1: {  	_ =	strace $0x90000047  }
0x1a2: {  	s0 =	stileid.u32;
	[bflag:$0x2] =	sbarrier.arrive $0xFFFF  }
0x1a3: {  	p0 =	sne.s32 s0, $0x0;
	s0 =	rddreg [dreg:$0x3]  }
0x1a4: {  	s0 =	sadd.s32 @!p0 $0x100000, s0  }
0x1a5: {  	[sflag:s0] =	ssyncadd.tile.s32 @!p0 $0x1;
	_ =	shalt  }
.Lfunc_end2:
_tile_overlayer_lowered:
.L_overlay_start_2:
0x1a6: {  	(tag) =	ssettag $0x2  }
0x1a7: {  	s0 =	rddreg [dreg:$0x0];
	s2 =	stileid.u32  }
0x1a8: {  	s1 =	rddreg [dreg:$0x1];
	p0 =	sne.s32 s2, $0x0  }
0x1a9: {  	s3 =	rddreg [dreg:$0x2];
	[bflag:$0x3] =	sbarrier.arrive $0xFFFF;
	s2 =	simm.s32 @!p0 $0x1C02  }
0x1aa: {  	[timem:s3], [sflag:s2] =	dma.local @!p0 [hbm:s0], s1  }
0x1ab: {  	s0 =	simm.s32 @!p0 $0x2  }
0x1ac: {  	_ =	swait.ge @!p0 [sflag:s0], s1  }
0x1ad: {  	s1 =	ssub.s32 @!p0 $0x0, s1;
	[sflag:s0] =	ssyncset.done @!p0 $0x0  }
0x1ae: {  	[sflag:s0] =	ssyncadd.s32 @!p0 s1  }
0x1af: {  	[bflag:$0x3] =	sbarrier.arrive $0xFFFF  }
0x1b0: {  	_ =	shalt  }

</sc_bundles>
